<compile_context>
chip_gen: v7x
topology: tpu7x:2x2x1
jax: 0.10.2.dev20260603
libtpu: 0.0.44.dev20260713+nightly
codegen_flags: <defaults>
</compile_context>

<pallas_src>
import functools

import jax
import jax.numpy as jnp
from jax import lax
from jax.experimental import pallas as pl
from jax.experimental.pallas import tpu as pltpu
from jax.experimental.pallas import tpu_sc as plsc

_NC = 2
_NS = 16
_NW = _NC * _NS
_L = 16

_ROWS = 3072
_COLS = 4096
_ROWS_W = _ROWS // _NW
_SR = 8
_NCH = _ROWS_W // _SR
_NB = 3
_LUT_N = 4096


def _sc_body(x_hbm, lut_hbm, out_hbm, lut_v, v0, v1, v2, s0, s1, s2):
    wid = lax.axis_index("s") * _NC + lax.axis_index("c")
    base_row = wid * _ROWS_W
    bufs = (v0, v1, v2)
    sems = (s0, s1, s2)

    def start_in(c, b):
        r0 = base_row + c * _SR
        pltpu.async_copy(x_hbm.at[pl.ds(r0, _SR), :], bufs[b], sems[b])

    def start_out(c, b):
        r0 = base_row + c * _SR
        pltpu.async_copy(bufs[b].bitcast(jnp.float32),
                         out_hbm.at[pl.ds(r0, _SR), :], sems[b])

    def drain_in(b):
        pltpu.make_async_copy(x_hbm.at[pl.ds(0, _SR), :], bufs[b],
                              sems[b]).wait()

    def drain_out(b):
        pltpu.make_async_copy(bufs[b].bitcast(jnp.float32),
                              out_hbm.at[pl.ds(0, _SR), :], sems[b]).wait()

    start_in(0, 0)
    pltpu.sync_copy(lut_hbm, lut_v)

    @pl.loop(0, _NCH, step=_NB)
    def chunk_body(c0):
        for b in range(_NB):
            c = c0 + b
            bn = (b + 1) % _NB

            @pl.when(c >= 2)
            def _():
                drain_out(bn)

            @pl.when(c + 1 < _NCH)
            def _():
                start_in(c + 1, bn)

            drain_in(b)

            @plsc.parallel_loop(0, _COLS, step=_L, unroll=2)
            def gather_step(i):
                for r in range(_SR):
                    idx = bufs[b][r, pl.ds(i, _L)]
                    val = plsc.load_gather(lut_v, [idx])
                    bufs[b][r, pl.ds(i, _L)] = plsc.bitcast(val, jnp.int32)

            start_out(c, b)

    drain_out((_NCH - 2) % _NB)
    drain_out((_NCH - 1) % _NB)


_sc_kernel = functools.partial(
    pl.kernel,
    mesh=plsc.VectorSubcoreMesh(core_axis_name="c", subcore_axis_name="s"),
    out_type=jax.ShapeDtypeStruct((_ROWS, _COLS), jnp.float32),
    scratch_types=[
        pltpu.VMEM((_LUT_N,), jnp.float32),
        pltpu.VMEM((_SR, _COLS), jnp.int32),
        pltpu.VMEM((_SR, _COLS), jnp.int32),
        pltpu.VMEM((_SR, _COLS), jnp.int32),
        pltpu.SemaphoreType.DMA,
        pltpu.SemaphoreType.DMA,
        pltpu.SemaphoreType.DMA,
    ],
    compiler_params=pltpu.CompilerParams(needs_layout_passes=False),
)(_sc_body)


def kernel(x, lut):
    return _sc_kernel(x, lut)

# --- scband reference (transcript-rebuilt; emitter-appended) ---
"""Pipeline reference for scband-decompand-black-level-7181185319106 (READ-ONLY COPY).

The authoritative reference and input builder live on the scoring server;
editing this copy changes nothing except your own understanding.
"""

import jax, jax.numpy as jnp
import numpy as np


def _build_lut():
    compand_knee = np.array([0.0, 2048.0, 16384.0, 262144.0, 16777215.0], dtype=np.float32)
    compand_lut = np.array([0, 512, 1024, 2048, 4096], dtype=np.int64)
    black_level = 256
    lut = np.zeros(4096, dtype=np.float32)
    for i in range(len(compand_knee) - 1):
        start_idx = int(compand_lut[i])
        end_idx = int(compand_lut[i + 1])
        start_val = float(compand_knee[i])
        end_val = float(compand_knee[i + 1])
        num_points = end_idx - start_idx
        if num_points > 0:
            lut[start_idx:end_idx] = np.linspace(start_val, end_val, num=num_points, dtype=np.float32)
    lut[int(compand_lut[-1]):] = float(compand_knee[-1])
    lut = lut - float(black_level)
    return jnp.asarray(lut, dtype=jnp.float32)


def setup_inputs(seed: int = 0) -> dict:
    key = jax.random.key(seed)
    x = jax.random.randint(key, (3072, 4096), 0, 4096, dtype=jnp.int32)
    lut = _build_lut()
    return {"x": x, "lut": lut}


def reference(x, lut):
    x_int = x.astype(jnp.int32)
    x_clipped = jnp.clip(x_int, 0, 4095)
    output = jnp.take(lut, x_clipped, axis=0)
    return output

if __name__ == "__main__":
    import jax
    _d = setup_inputs()
    print(jax.jit(kernel)(*tuple(_d.values())))

</pallas_src>

<mosaic_0001>
#map = affine_map<(d0, d1) -> (0, 0)>
#map1 = affine_map<(d0, d1) -> (0)>
module attributes {stable_mosaic.version = 14 : i64} {
  func.func @_sc_body(%arg0: i32, %arg1: i32, %arg2: memref<3072x4096xi32, #tpu.memory_space<hbm>>, %arg3: memref<4096xf32, #tpu.memory_space<hbm>>, %arg4: memref<3072x4096xf32, #tpu.memory_space<hbm>>, %arg5: memref<4096xf32, #tpu.memory_space<vmem>>, %arg6: memref<8x4096xi32, #tpu.memory_space<vmem>>, %arg7: memref<8x4096xi32, #tpu.memory_space<vmem>>, %arg8: memref<8x4096xi32, #tpu.memory_space<vmem>>, %arg9: memref<!tpu.dma_semaphore, #tpu.memory_space<semaphore_mem>>, %arg10: memref<!tpu.dma_semaphore, #tpu.memory_space<semaphore_mem>>, %arg11: memref<!tpu.dma_semaphore, #tpu.memory_space<semaphore_mem>>) attributes {dimension_semantics = [#tpu.dimension_semantics<core_parallel>, #tpu.dimension_semantics<subcore_parallel>], iteration_bounds = array<i64: 2, 16>, scalar_prefetch = 0 : i64, scratch_operands = 7 : i64, tpu.core_type = #tpu.core_type<sc_vector_subcore>, window_params = [{transform_indices = #map}, {transform_indices = #map1}, {transform_indices = #map}]} {
    %mul3A = arith.constant 2 : i32
    %mul3A_0 = arith.muli %arg1, %mul3A : i32
    %add3A = arith.addi %mul3A_0, %arg0 : i32
    %mul3A_1 = arith.constant 96 : i32
    %mul3A_2 = arith.muli %add3A, %mul3A_1 : i32
    %add3A_3 = arith.constant 0 : i32
    %add3A_4 = arith.addi %mul3A_2, %add3A_3 : i32
    %dma_start3A = arith.constant 0 : i32
    %dma_start3A_5 = tpu.memref_slice %arg2[%add3A_4, %dma_start3A] : memref<3072x4096xi32, #tpu.memory_space<hbm>> -> memref<8x4096xi32, #tpu.memory_space<hbm>>
    %dma_start3A_6 = arith.constant 0 : i32
    %dma_start3A_7 = tpu.memref_slice %arg2[%add3A_4, %dma_start3A_6] : memref<3072x4096xi32, #tpu.memory_space<hbm>> -> memref<8x4096xi32, #tpu.memory_space<hbm>>
    tpu.enqueue_dma source(%dma_start3A_7 : memref<8x4096xi32, #tpu.memory_space<hbm>>) target(%arg6 : memref<8x4096xi32, #tpu.memory_space<vmem>>) target_semaphore(%arg9 : memref<!tpu.dma_semaphore, #tpu.memory_space<semaphore_mem>>)
    "tpu.region"() ({
      %run_scoped3A = tpu.sem_alloc : memref<!tpu.dma_semaphore, #tpu.memory_space<semaphore_mem>>
      tpu.enqueue_dma source(%arg3 : memref<4096xf32, #tpu.memory_space<hbm>>) target(%arg5 : memref<4096xf32, #tpu.memory_space<vmem>>) target_semaphore(%run_scoped3A : memref<!tpu.dma_semaphore, #tpu.memory_space<semaphore_mem>>)
      tpu.wait_dma2 semaphore(%run_scoped3A : memref<!tpu.dma_semaphore, #tpu.memory_space<semaphore_mem>>) src(%arg3 : memref<4096xf32, #tpu.memory_space<hbm>>) dst(%arg5 : memref<4096xf32, #tpu.memory_space<vmem>>)
      tpu.yield
    }) : () -> ()
    %scan3A = arith.constant 0 : i32
    %scan3A_8 = arith.constant 4 : i32
    %scan3A_9 = arith.addi %scan3A, %scan3A_8 : i32
    %scan3A_10 = arith.constant 1 : i32
    scf.for %scan3A_27 = %scan3A to %scan3A_9 step %scan3A_10  : i32 {
      %mul3A_28 = arith.constant 3 : i32
      %mul3A_29 = arith.muli %scan3A_27, %mul3A_28 : i32
      %add3A_30 = arith.constant 0 : i32
      %add3A_31 = arith.addi %add3A_30, %mul3A_29 : i32
      %add3A_32 = arith.constant 0 : i32
      %add3A_33 = arith.addi %add3A_31, %add3A_32 : i32
      %ge3A = arith.constant 2 : i32
      %ge3A_34 = arith.cmpi sge, %add3A_33, %ge3A : i32
      %convert_element_type3A = arith.extui %ge3A_34 : i1 to i32
      %cond3A = arith.constant 0 : i32
      %cond3A_35 = arith.cmpi ne, %convert_element_type3A, %cond3A : i32
      scf.if %cond3A_35 {
        %dma_wait3A_123 = tpu.memref_bitcast %arg7 : memref<8x4096xi32, #tpu.memory_space<vmem>> -> memref<8x4096xf32, #tpu.memory_space<vmem>>
        %dma_wait3A_124 = arith.constant 0 : i32
        %dma_wait3A_125 = arith.constant 0 : i32
        %dma_wait3A_126 = tpu.memref_slice %arg4[%dma_wait3A_124, %dma_wait3A_125] : memref<3072x4096xf32, #tpu.memory_space<hbm>> -> memref<8x4096xf32, #tpu.memory_space<hbm>>
        %dma_wait3A_127 = arith.constant 0 : i32
        %dma_wait3A_128 = arith.constant 0 : i32
        %dma_wait3A_129 = tpu.memref_slice %arg4[%dma_wait3A_127, %dma_wait3A_128] : memref<3072x4096xf32, #tpu.memory_space<hbm>> -> memref<8x4096xf32, #tpu.memory_space<hbm>>
        %dma_wait3A_130 = tpu.memref_bitcast %arg7 : memref<8x4096xi32, #tpu.memory_space<vmem>> -> memref<8x4096xf32, #tpu.memory_space<vmem>>
        tpu.wait_dma2 semaphore(%arg10 : memref<!tpu.dma_semaphore, #tpu.memory_space<semaphore_mem>>) src(%dma_wait3A_130 : memref<8x4096xf32, #tpu.memory_space<vmem>>) dst(%dma_wait3A_129 : memref<8x4096xf32, #tpu.memory_space<hbm>>)
      } else {
      }
      %add3A_36 = arith.constant 1 : i32
      %add3A_37 = arith.addi %add3A_33, %add3A_36 : i32
      %lt3A = arith.constant 12 : i32
      %lt3A_38 = arith.cmpi slt, %add3A_37, %lt3A : i32
      %convert_element_type3A_39 = arith.extui %lt3A_38 : i1 to i32
      %cond3A_40 = arith.constant 0 : i32
      %cond3A_41 = arith.cmpi ne, %convert_element_type3A_39, %cond3A_40 : i32
      scf.if %cond3A_41 {
        %add3A_123 = arith.constant 1 : i32
        %add3A_124 = arith.addi %add3A_33, %add3A_123 : i32
        %mul3A_125 = arith.constant 8 : i32
        %mul3A_126 = arith.muli %add3A_124, %mul3A_125 : i32
        %add3A_127 = arith.addi %mul3A_2, %mul3A_126 : i32
        %dma_start3A_128 = arith.constant 0 : i32
        %dma_start3A_129 = tpu.memref_slice %arg2[%add3A_127, %dma_start3A_128] : memref<3072x4096xi32, #tpu.memory_space<hbm>> -> memref<8x4096xi32, #tpu.memory_space<hbm>>
        %dma_start3A_130 = arith.constant 0 : i32
        %dma_start3A_131 = tpu.memref_slice %arg2[%add3A_127, %dma_start3A_130] : memref<3072x4096xi32, #tpu.memory_space<hbm>> -> memref<8x4096xi32, #tpu.memory_space<hbm>>
        tpu.enqueue_dma source(%dma_start3A_131 : memref<8x4096xi32, #tpu.memory_space<hbm>>) target(%arg7 : memref<8x4096xi32, #tpu.memory_space<vmem>>) target_semaphore(%arg10 : memref<!tpu.dma_semaphore, #tpu.memory_space<semaphore_mem>>)
      } else {
      }
      %dma_wait3A_42 = arith.constant 0 : i32
      %dma_wait3A_43 = arith.constant 0 : i32
      %dma_wait3A_44 = tpu.memref_slice %arg2[%dma_wait3A_42, %dma_wait3A_43] : memref<3072x4096xi32, #tpu.memory_space<hbm>> -> memref<8x4096xi32, #tpu.memory_space<hbm>>
      %dma_wait3A_45 = arith.constant 0 : i32
      %dma_wait3A_46 = arith.constant 0 : i32
      %dma_wait3A_47 = tpu.memref_slice %arg2[%dma_wait3A_45, %dma_wait3A_46] : memref<3072x4096xi32, #tpu.memory_space<hbm>> -> memref<8x4096xi32, #tpu.memory_space<hbm>>
      tpu.wait_dma2 semaphore(%arg9 : memref<!tpu.dma_semaphore, #tpu.memory_space<semaphore_mem>>) src(%dma_wait3A_47 : memref<8x4096xi32, #tpu.memory_space<hbm>>) dst(%arg6 : memref<8x4096xi32, #tpu.memory_space<vmem>>)
      %parallel_loop3A = arith.constant 0 : i32
      %parallel_loop3A_48 = arith.constant 4096 : i32
      %parallel_loop3A_49 = arith.constant 16 : i32
      scf.for %parallel_loop3A_123 = %parallel_loop3A to %parallel_loop3A_48 step %parallel_loop3A_49  : i32 {
        %parallel_loop3A_124 = arith.constant 0 : i32
        %parallel_loop3A_125 = arith.index_cast %parallel_loop3A_124 : i32 to index
        %parallel_loop3A_126 = arith.index_cast %parallel_loop3A_123 : i32 to index
        %parallel_loop3A_127 = tpu.vector_load %arg6[%parallel_loop3A_125, %parallel_loop3A_126] {strides = array<i32>} : memref<8x4096xi32, #tpu.memory_space<vmem>>, vector<16xi32>,
        %parallel_loop3A_128 = tpu.vector_load_idx %arg5[%parallel_loop3A_127] : memref<4096xf32, #tpu.memory_space<vmem>>[vector<16xi32>], vector<16xf32>,
        %parallel_loop3A_129 = vector.bitcast %parallel_loop3A_128 : vector<16xf32> to vector<16xi32>
        %parallel_loop3A_130 = arith.constant 0 : i32
        %parallel_loop3A_131 = arith.index_cast %parallel_loop3A_130 : i32 to index
        %parallel_loop3A_132 = arith.index_cast %parallel_loop3A_123 : i32 to index
        %parallel_loop3A_133 = tpu.vector_load %arg6[%parallel_loop3A_131, %parallel_loop3A_132] {strides = array<i32>} : memref<8x4096xi32, #tpu.memory_space<vmem>>, vector<16xi32>,
        tpu.vector_store %arg6[%parallel_loop3A_131, %parallel_loop3A_132], %parallel_loop3A_129 {strides = array<i32>} : memref<8x4096xi32, #tpu.memory_space<vmem>>, vector<16xi32>,
        %parallel_loop3A_134 = arith.constant 1 : i32
        %parallel_loop3A_135 = arith.index_cast %parallel_loop3A_134 : i32 to index
        %parallel_loop3A_136 = arith.index_cast %parallel_loop3A_123 : i32 to index
        %parallel_loop3A_137 = tpu.vector_load %arg6[%parallel_loop3A_135, %parallel_loop3A_136] {strides = array<i32>} : memref<8x4096xi32, #tpu.memory_space<vmem>>, vector<16xi32>,
        %parallel_loop3A_138 = tpu.vector_load_idx %arg5[%parallel_loop3A_137] : memref<4096xf32, #tpu.memory_space<vmem>>[vector<16xi32>], vector<16xf32>,
        %parallel_loop3A_139 = vector.bitcast %parallel_loop3A_138 : vector<16xf32> to vector<16xi32>
        %parallel_loop3A_140 = arith.constant 1 : i32
        %parallel_loop3A_141 = arith.index_cast %parallel_loop3A_140 : i32 to index
        %parallel_loop3A_142 = arith.index_cast %parallel_loop3A_123 : i32 to index
        %parallel_loop3A_143 = tpu.vector_load %arg6[%parallel_loop3A_141, %parallel_loop3A_142] {strides = array<i32>} : memref<8x4096xi32, #tpu.memory_space<vmem>>, vector<16xi32>,
        tpu.vector_store %arg6[%parallel_loop3A_141, %parallel_loop3A_142], %parallel_loop3A_139 {strides = array<i32>} : memref<8x4096xi32, #tpu.memory_space<vmem>>, vector<16xi32>,
        %parallel_loop3A_144 = arith.constant 2 : i32
        %parallel_loop3A_145 = arith.index_cast %parallel_loop3A_144 : i32 to index
        %parallel_loop3A_146 = arith.index_cast %parallel_loop3A_123 : i32 to index
        %parallel_loop3A_147 = tpu.vector_load %arg6[%parallel_loop3A_145, %parallel_loop3A_146] {strides = array<i32>} : memref<8x4096xi32, #tpu.memory_space<vmem>>, vector<16xi32>,
        %parallel_loop3A_148 = tpu.vector_load_idx %arg5[%parallel_loop3A_147] : memref<4096xf32, #tpu.memory_space<vmem>>[vector<16xi32>], vector<16xf32>,
        %parallel_loop3A_149 = vector.bitcast %parallel_loop3A_148 : vector<16xf32> to vector<16xi32>
        %parallel_loop3A_150 = arith.constant 2 : i32
        %parallel_loop3A_151 = arith.index_cast %parallel_loop3A_150 : i32 to index
        %parallel_loop3A_152 = arith.index_cast %parallel_loop3A_123 : i32 to index
        %parallel_loop3A_153 = tpu.vector_load %arg6[%parallel_loop3A_151, %parallel_loop3A_152] {strides = array<i32>} : memref<8x4096xi32, #tpu.memory_space<vmem>>, vector<16xi32>,
        tpu.vector_store %arg6[%parallel_loop3A_151, %parallel_loop3A_152], %parallel_loop3A_149 {strides = array<i32>} : memref<8x4096xi32, #tpu.memory_space<vmem>>, vector<16xi32>,
        %parallel_loop3A_154 = arith.constant 3 : i32
        %parallel_loop3A_155 = arith.index_cast %parallel_loop3A_154 : i32 to index
        %parallel_loop3A_156 = arith.index_cast %parallel_loop3A_123 : i32 to index
        %parallel_loop3A_157 = tpu.vector_load %arg6[%parallel_loop3A_155, %parallel_loop3A_156] {strides = array<i32>} : memref<8x4096xi32, #tpu.memory_space<vmem>>, vector<16xi32>,
        %parallel_loop3A_158 = tpu.vector_load_idx %arg5[%parallel_loop3A_157] : memref<4096xf32, #tpu.memory_space<vmem>>[vector<16xi32>], vector<16xf32>,
        %parallel_loop3A_159 = vector.bitcast %parallel_loop3A_158 : vector<16xf32> to vector<16xi32>
        %parallel_loop3A_160 = arith.constant 3 : i32
        %parallel_loop3A_161 = arith.index_cast %parallel_loop3A_160 : i32 to index
        %parallel_loop3A_162 = arith.index_cast %parallel_loop3A_123 : i32 to index
        %parallel_loop3A_163 = tpu.vector_load %arg6[%parallel_loop3A_161, %parallel_loop3A_162] {strides = array<i32>} : memref<8x4096xi32, #tpu.memory_space<vmem>>, vector<16xi32>,
        tpu.vector_store %arg6[%parallel_loop3A_161, %parallel_loop3A_162], %parallel_loop3A_159 {strides = array<i32>} : memref<8x4096xi32, #tpu.memory_space<vmem>>, vector<16xi32>,
        %parallel_loop3A_164 = arith.constant 4 : i32
        %parallel_loop3A_165 = arith.index_cast %parallel_loop3A_164 : i32 to index
        %parallel_loop3A_166 = arith.index_cast %parallel_loop3A_123 : i32 to index
        %parallel_loop3A_167 = tpu.vector_load %arg6[%parallel_loop3A_165, %parallel_loop3A_166] {strides = array<i32>} : memref<8x4096xi32, #tpu.memory_space<vmem>>, vector<16xi32>,
        %parallel_loop3A_168 = tpu.vector_load_idx %arg5[%parallel_loop3A_167] : memref<4096xf32, #tpu.memory_space<vmem>>[vector<16xi32>], vector<16xf32>,
        %parallel_loop3A_169 = vector.bitcast %parallel_loop3A_168 : vector<16xf32> to vector<16xi32>
        %parallel_loop3A_170 = arith.constant 4 : i32
        %parallel_loop3A_171 = arith.index_cast %parallel_loop3A_170 : i32 to index
        %parallel_loop3A_172 = arith.index_cast %parallel_loop3A_123 : i32 to index
        %parallel_loop3A_173 = tpu.vector_load %arg6[%parallel_loop3A_171, %parallel_loop3A_172] {strides = array<i32>} : memref<8x4096xi32, #tpu.memory_space<vmem>>, vector<16xi32>,
        tpu.vector_store %arg6[%parallel_loop3A_171, %parallel_loop3A_172], %parallel_loop3A_169 {strides = array<i32>} : memref<8x4096xi32, #tpu.memory_space<vmem>>, vector<16xi32>,
        %parallel_loop3A_174 = arith.constant 5 : i32
        %parallel_loop3A_175 = arith.index_cast %parallel_loop3A_174 : i32 to index
        %parallel_loop3A_176 = arith.index_cast %parallel_loop3A_123 : i32 to index
        %parallel_loop3A_177 = tpu.vector_load %arg6[%parallel_loop3A_175, %parallel_loop3A_176] {strides = array<i32>} : memref<8x4096xi32, #tpu.memory_space<vmem>>, vector<16xi32>,
        %parallel_loop3A_178 = tpu.vector_load_idx %arg5[%parallel_loop3A_177] : memref<4096xf32, #tpu.memory_space<vmem>>[vector<16xi32>], vector<16xf32>,
        %parallel_loop3A_179 = vector.bitcast %parallel_loop3A_178 : vector<16xf32> to vector<16xi32>
        %parallel_loop3A_180 = arith.constant 5 : i32
        %parallel_loop3A_181 = arith.index_cast %parallel_loop3A_180 : i32 to index
        %parallel_loop3A_182 = arith.index_cast %parallel_loop3A_123 : i32 to index
        %parallel_loop3A_183 = tpu.vector_load %arg6[%parallel_loop3A_181, %parallel_loop3A_182] {strides = array<i32>} : memref<8x4096xi32, #tpu.memory_space<vmem>>, vector<16xi32>,
        tpu.vector_store %arg6[%parallel_loop3A_181, %parallel_loop3A_182], %parallel_loop3A_179 {strides = array<i32>} : memref<8x4096xi32, #tpu.memory_space<vmem>>, vector<16xi32>,
        %parallel_loop3A_184 = arith.constant 6 : i32
        %parallel_loop3A_185 = arith.index_cast %parallel_loop3A_184 : i32 to index
        %parallel_loop3A_186 = arith.index_cast %parallel_loop3A_123 : i32 to index
        %parallel_loop3A_187 = tpu.vector_load %arg6[%parallel_loop3A_185, %parallel_loop3A_186] {strides = array<i32>} : memref<8x4096xi32, #tpu.memory_space<vmem>>, vector<16xi32>,
        %parallel_loop3A_188 = tpu.vector_load_idx %arg5[%parallel_loop3A_187] : memref<4096xf32, #tpu.memory_space<vmem>>[vector<16xi32>], vector<16xf32>,
        %parallel_loop3A_189 = vector.bitcast %parallel_loop3A_188 : vector<16xf32> to vector<16xi32>
        %parallel_loop3A_190 = arith.constant 6 : i32
        %parallel_loop3A_191 = arith.index_cast %parallel_loop3A_190 : i32 to index
        %parallel_loop3A_192 = arith.index_cast %parallel_loop3A_123 : i32 to index
        %parallel_loop3A_193 = tpu.vector_load %arg6[%parallel_loop3A_191, %parallel_loop3A_192] {strides = array<i32>} : memref<8x4096xi32, #tpu.memory_space<vmem>>, vector<16xi32>,
        tpu.vector_store %arg6[%parallel_loop3A_191, %parallel_loop3A_192], %parallel_loop3A_189 {strides = array<i32>} : memref<8x4096xi32, #tpu.memory_space<vmem>>, vector<16xi32>,
        %parallel_loop3A_194 = arith.constant 7 : i32
        %parallel_loop3A_195 = arith.index_cast %parallel_loop3A_194 : i32 to index
        %parallel_loop3A_196 = arith.index_cast %parallel_loop3A_123 : i32 to index
        %parallel_loop3A_197 = tpu.vector_load %arg6[%parallel_loop3A_195, %parallel_loop3A_196] {strides = array<i32>} : memref<8x4096xi32, #tpu.memory_space<vmem>>, vector<16xi32>,
        %parallel_loop3A_198 = tpu.vector_load_idx %arg5[%parallel_loop3A_197] : memref<4096xf32, #tpu.memory_space<vmem>>[vector<16xi32>], vector<16xf32>,
        %parallel_loop3A_199 = vector.bitcast %parallel_loop3A_198 : vector<16xf32> to vector<16xi32>
        %parallel_loop3A_200 = arith.constant 7 : i32
        %parallel_loop3A_201 = arith.index_cast %parallel_loop3A_200 : i32 to index
        %parallel_loop3A_202 = arith.index_cast %parallel_loop3A_123 : i32 to index
        %parallel_loop3A_203 = tpu.vector_load %arg6[%parallel_loop3A_201, %parallel_loop3A_202] {strides = array<i32>} : memref<8x4096xi32, #tpu.memory_space<vmem>>, vector<16xi32>,
        tpu.vector_store %arg6[%parallel_loop3A_201, %parallel_loop3A_202], %parallel_loop3A_199 {strides = array<i32>} : memref<8x4096xi32, #tpu.memory_space<vmem>>, vector<16xi32>,
      } {sc.loop_unroll_factor = 2 : i64, sc.parallel_access}
      %mul3A_50 = arith.constant 8 : i32
      %mul3A_51 = arith.muli %add3A_33, %mul3A_50 : i32
      %add3A_52 = arith.addi %mul3A_2, %mul3A_51 : i32
      %dma_start3A_53 = tpu.memref_bitcast %arg6 : memref<8x4096xi32, #tpu.memory_space<vmem>> -> memref<8x4096xf32, #tpu.memory_space<vmem>>
      %dma_start3A_54 = arith.constant 0 : i32
      %dma_start3A_55 = tpu.memref_slice %arg4[%add3A_52, %dma_start3A_54] : memref<3072x4096xf32, #tpu.memory_space<hbm>> -> memref<8x4096xf32, #tpu.memory_space<hbm>>
      %dma_start3A_56 = arith.constant 0 : i32
      %dma_start3A_57 = tpu.memref_slice %arg4[%add3A_52, %dma_start3A_56] : memref<3072x4096xf32, #tpu.memory_space<hbm>> -> memref<8x4096xf32, #tpu.memory_space<hbm>>
      %dma_start3A_58 = tpu.memref_bitcast %arg6 : memref<8x4096xi32, #tpu.memory_space<vmem>> -> memref<8x4096xf32, #tpu.memory_space<vmem>>
      tpu.enqueue_dma source(%dma_start3A_58 : memref<8x4096xf32, #tpu.memory_space<vmem>>) target(%dma_start3A_57 : memref<8x4096xf32, #tpu.memory_space<hbm>>) target_semaphore(%arg9 : memref<!tpu.dma_semaphore, #tpu.memory_space<semaphore_mem>>)
      %add3A_59 = arith.constant 1 : i32
      %add3A_60 = arith.addi %add3A_31, %add3A_59 : i32
      %ge3A_61 = arith.constant 2 : i32
      %ge3A_62 = arith.cmpi sge, %add3A_60, %ge3A_61 : i32
      %convert_element_type3A_63 = arith.extui %ge3A_62 : i1 to i32
      %cond3A_64 = arith.constant 0 : i32
      %cond3A_65 = arith.cmpi ne, %convert_element_type3A_63, %cond3A_64 : i32
      scf.if %cond3A_65 {
        %dma_wait3A_123 = tpu.memref_bitcast %arg8 : memref<8x4096xi32, #tpu.memory_space<vmem>> -> memref<8x4096xf32, #tpu.memory_space<vmem>>
        %dma_wait3A_124 = arith.constant 0 : i32
        %dma_wait3A_125 = arith.constant 0 : i32
        %dma_wait3A_126 = tpu.memref_slice %arg4[%dma_wait3A_124, %dma_wait3A_125] : memref<3072x4096xf32, #tpu.memory_space<hbm>> -> memref<8x4096xf32, #tpu.memory_space<hbm>>
        %dma_wait3A_127 = arith.constant 0 : i32
        %dma_wait3A_128 = arith.constant 0 : i32
        %dma_wait3A_129 = tpu.memref_slice %arg4[%dma_wait3A_127, %dma_wait3A_128] : memref<3072x4096xf32, #tpu.memory_space<hbm>> -> memref<8x4096xf32, #tpu.memory_space<hbm>>
        %dma_wait3A_130 = tpu.memref_bitcast %arg8 : memref<8x4096xi32, #tpu.memory_space<vmem>> -> memref<8x4096xf32, #tpu.memory_space<vmem>>
        tpu.wait_dma2 semaphore(%arg11 : memref<!tpu.dma_semaphore, #tpu.memory_space<semaphore_mem>>) src(%dma_wait3A_130 : memref<8x4096xf32, #tpu.memory_space<vmem>>) dst(%dma_wait3A_129 : memref<8x4096xf32, #tpu.memory_space<hbm>>)
      } else {
      }
      %add3A_66 = arith.constant 1 : i32
      %add3A_67 = arith.addi %add3A_60, %add3A_66 : i32
      %lt3A_68 = arith.constant 12 : i32
      %lt3A_69 = arith.cmpi slt, %add3A_67, %lt3A_68 : i32
      %convert_element_type3A_70 = arith.extui %lt3A_69 : i1 to i32
      %cond3A_71 = arith.constant 0 : i32
      %cond3A_72 = arith.cmpi ne, %convert_element_type3A_70, %cond3A_71 : i32
      scf.if %cond3A_72 {
        %add3A_123 = arith.constant 1 : i32
        %add3A_124 = arith.addi %add3A_60, %add3A_123 : i32
        %mul3A_125 = arith.constant 8 : i32
        %mul3A_126 = arith.muli %add3A_124, %mul3A_125 : i32
        %add3A_127 = arith.addi %mul3A_2, %mul3A_126 : i32
        %dma_start3A_128 = arith.constant 0 : i32
        %dma_start3A_129 = tpu.memref_slice %arg2[%add3A_127, %dma_start3A_128] : memref<3072x4096xi32, #tpu.memory_space<hbm>> -> memref<8x4096xi32, #tpu.memory_space<hbm>>
        %dma_start3A_130 = arith.constant 0 : i32
        %dma_start3A_131 = tpu.memref_slice %arg2[%add3A_127, %dma_start3A_130] : memref<3072x4096xi32, #tpu.memory_space<hbm>> -> memref<8x4096xi32, #tpu.memory_space<hbm>>
        tpu.enqueue_dma source(%dma_start3A_131 : memref<8x4096xi32, #tpu.memory_space<hbm>>) target(%arg8 : memref<8x4096xi32, #tpu.memory_space<vmem>>) target_semaphore(%arg11 : memref<!tpu.dma_semaphore, #tpu.memory_space<semaphore_mem>>)
      } else {
      }
      %dma_wait3A_73 = arith.constant 0 : i32
      %dma_wait3A_74 = arith.constant 0 : i32
      %dma_wait3A_75 = tpu.memref_slice %arg2[%dma_wait3A_73, %dma_wait3A_74] : memref<3072x4096xi32, #tpu.memory_space<hbm>> -> memref<8x4096xi32, #tpu.memory_space<hbm>>
      %dma_wait3A_76 = arith.constant 0 : i32
      %dma_wait3A_77 = arith.constant 0 : i32
      %dma_wait3A_78 = tpu.memref_slice %arg2[%dma_wait3A_76, %dma_wait3A_77] : memref<3072x4096xi32, #tpu.memory_space<hbm>> -> memref<8x4096xi32, #tpu.memory_space<hbm>>
      tpu.wait_dma2 semaphore(%arg10 : memref<!tpu.dma_semaphore, #tpu.memory_space<semaphore_mem>>) src(%dma_wait3A_78 : memref<8x4096xi32, #tpu.memory_space<hbm>>) dst(%arg7 : memref<8x4096xi32, #tpu.memory_space<vmem>>)
      %parallel_loop3A_79 = arith.constant 0 : i32
      %parallel_loop3A_80 = arith.constant 4096 : i32
      %parallel_loop3A_81 = arith.constant 16 : i32
      scf.for %parallel_loop3A_123 = %parallel_loop3A_79 to %parallel_loop3A_80 step %parallel_loop3A_81  : i32 {
        %parallel_loop3A_124 = arith.constant 0 : i32
        %parallel_loop3A_125 = arith.index_cast %parallel_loop3A_124 : i32 to index
        %parallel_loop3A_126 = arith.index_cast %parallel_loop3A_123 : i32 to index
        %parallel_loop3A_127 = tpu.vector_load %arg7[%parallel_loop3A_125, %parallel_loop3A_126] {strides = array<i32>} : memref<8x4096xi32, #tpu.memory_space<vmem>>, vector<16xi32>,
        %parallel_loop3A_128 = tpu.vector_load_idx %arg5[%parallel_loop3A_127] : memref<4096xf32, #tpu.memory_space<vmem>>[vector<16xi32>], vector<16xf32>,
        %parallel_loop3A_129 = vector.bitcast %parallel_loop3A_128 : vector<16xf32> to vector<16xi32>
        %parallel_loop3A_130 = arith.constant 0 : i32
        %parallel_loop3A_131 = arith.index_cast %parallel_loop3A_130 : i32 to index
        %parallel_loop3A_132 = arith.index_cast %parallel_loop3A_123 : i32 to index
        %parallel_loop3A_133 = tpu.vector_load %arg7[%parallel_loop3A_131, %parallel_loop3A_132] {strides = array<i32>} : memref<8x4096xi32, #tpu.memory_space<vmem>>, vector<16xi32>,
        tpu.vector_store %arg7[%parallel_loop3A_131, %parallel_loop3A_132], %parallel_loop3A_129 {strides = array<i32>} : memref<8x4096xi32, #tpu.memory_space<vmem>>, vector<16xi32>,
        %parallel_loop3A_134 = arith.constant 1 : i32
        %parallel_loop3A_135 = arith.index_cast %parallel_loop3A_134 : i32 to index
        %parallel_loop3A_136 = arith.index_cast %parallel_loop3A_123 : i32 to index
        %parallel_loop3A_137 = tpu.vector_load %arg7[%parallel_loop3A_135, %parallel_loop3A_136] {strides = array<i32>} : memref<8x4096xi32, #tpu.memory_space<vmem>>, vector<16xi32>,
        %parallel_loop3A_138 = tpu.vector_load_idx %arg5[%parallel_loop3A_137] : memref<4096xf32, #tpu.memory_space<vmem>>[vector<16xi32>], vector<16xf32>,
        %parallel_loop3A_139 = vector.bitcast %parallel_loop3A_138 : vector<16xf32> to vector<16xi32>
        %parallel_loop3A_140 = arith.constant 1 : i32
        %parallel_loop3A_141 = arith.index_cast %parallel_loop3A_140 : i32 to index
        %parallel_loop3A_142 = arith.index_cast %parallel_loop3A_123 : i32 to index
        %parallel_loop3A_143 = tpu.vector_load %arg7[%parallel_loop3A_141, %parallel_loop3A_142] {strides = array<i32>} : memref<8x4096xi32, #tpu.memory_space<vmem>>, vector<16xi32>,
        tpu.vector_store %arg7[%parallel_loop3A_141, %parallel_loop3A_142], %parallel_loop3A_139 {strides = array<i32>} : memref<8x4096xi32, #tpu.memory_space<vmem>>, vector<16xi32>,
        %parallel_loop3A_144 = arith.constant 2 : i32
        %parallel_loop3A_145 = arith.index_cast %parallel_loop3A_144 : i32 to index
        %parallel_loop3A_146 = arith.index_cast %parallel_loop3A_123 : i32 to index
        %parallel_loop3A_147 = tpu.vector_load %arg7[%parallel_loop3A_145, %parallel_loop3A_146] {strides = array<i32>} : memref<8x4096xi32, #tpu.memory_space<vmem>>, vector<16xi32>,
        %parallel_loop3A_148 = tpu.vector_load_idx %arg5[%parallel_loop3A_147] : memref<4096xf32, #tpu.memory_space<vmem>>[vector<16xi32>], vector<16xf32>,
        %parallel_loop3A_149 = vector.bitcast %parallel_loop3A_148 : vector<16xf32> to vector<16xi32>
        %parallel_loop3A_150 = arith.constant 2 : i32
        %parallel_loop3A_151 = arith.index_cast %parallel_loop3A_150 : i32 to index
        %parallel_loop3A_152 = arith.index_cast %parallel_loop3A_123 : i32 to index
        %parallel_loop3A_153 = tpu.vector_load %arg7[%parallel_loop3A_151, %parallel_loop3A_152] {strides = array<i32>} : memref<8x4096xi32, #tpu.memory_space<vmem>>, vector<16xi32>,
        tpu.vector_store %arg7[%parallel_loop3A_151, %parallel_loop3A_152], %parallel_loop3A_149 {strides = array<i32>} : memref<8x4096xi32, #tpu.memory_space<vmem>>, vector<16xi32>,
        %parallel_loop3A_154 = arith.constant 3 : i32
        %parallel_loop3A_155 = arith.index_cast %parallel_loop3A_154 : i32 to index
        %parallel_loop3A_156 = arith.index_cast %parallel_loop3A_123 : i32 to index
        %parallel_loop3A_157 = tpu.vector_load %arg7[%parallel_loop3A_155, %parallel_loop3A_156] {strides = array<i32>} : memref<8x4096xi32, #tpu.memory_space<vmem>>, vector<16xi32>,
        %parallel_loop3A_158 = tpu.vector_load_idx %arg5[%parallel_loop3A_157] : memref<4096xf32, #tpu.memory_space<vmem>>[vector<16xi32>], vector<16xf32>,
        %parallel_loop3A_159 = vector.bitcast %parallel_loop3A_158 : vector<16xf32> to vector<16xi32>
        %parallel_loop3A_160 = arith.constant 3 : i32
        %parallel_loop3A_161 = arith.index_cast %parallel_loop3A_160 : i32 to index
        %parallel_loop3A_162 = arith.index_cast %parallel_loop3A_123 : i32 to index
        %parallel_loop3A_163 = tpu.vector_load %arg7[%parallel_loop3A_161, %parallel_loop3A_162] {strides = array<i32>} : memref<8x4096xi32, #tpu.memory_space<vmem>>, vector<16xi32>,
        tpu.vector_store %arg7[%parallel_loop3A_161, %parallel_loop3A_162], %parallel_loop3A_159 {strides = array<i32>} : memref<8x4096xi32, #tpu.memory_space<vmem>>, vector<16xi32>,
        %parallel_loop3A_164 = arith.constant 4 : i32
        %parallel_loop3A_165 = arith.index_cast %parallel_loop3A_164 : i32 to index
        %parallel_loop3A_166 = arith.index_cast %parallel_loop3A_123 : i32 to index
        %parallel_loop3A_167 = tpu.vector_load %arg7[%parallel_loop3A_165, %parallel_loop3A_166] {strides = array<i32>} : memref<8x4096xi32, #tpu.memory_space<vmem>>, vector<16xi32>,
        %parallel_loop3A_168 = tpu.vector_load_idx %arg5[%parallel_loop3A_167] : memref<4096xf32, #tpu.memory_space<vmem>>[vector<16xi32>], vector<16xf32>,
        %parallel_loop3A_169 = vector.bitcast %parallel_loop3A_168 : vector<16xf32> to vector<16xi32>
        %parallel_loop3A_170 = arith.constant 4 : i32
        %parallel_loop3A_171 = arith.index_cast %parallel_loop3A_170 : i32 to index
        %parallel_loop3A_172 = arith.index_cast %parallel_loop3A_123 : i32 to index
        %parallel_loop3A_173 = tpu.vector_load %arg7[%parallel_loop3A_171, %parallel_loop3A_172] {strides = array<i32>} : memref<8x4096xi32, #tpu.memory_space<vmem>>, vector<16xi32>,
        tpu.vector_store %arg7[%parallel_loop3A_171, %parallel_loop3A_172], %parallel_loop3A_169 {strides = array<i32>} : memref<8x4096xi32, #tpu.memory_space<vmem>>, vector<16xi32>,
        %parallel_loop3A_174 = arith.constant 5 : i32
        %parallel_loop3A_175 = arith.index_cast %parallel_loop3A_174 : i32 to index
        %parallel_loop3A_176 = arith.index_cast %parallel_loop3A_123 : i32 to index
        %parallel_loop3A_177 = tpu.vector_load %arg7[%parallel_loop3A_175, %parallel_loop3A_176] {strides = array<i32>} : memref<8x4096xi32, #tpu.memory_space<vmem>>, vector<16xi32>,
        %parallel_loop3A_178 = tpu.vector_load_idx %arg5[%parallel_loop3A_177] : memref<4096xf32, #tpu.memory_space<vmem>>[vector<16xi32>], vector<16xf32>,
        %parallel_loop3A_179 = vector.bitcast %parallel_loop3A_178 : vector<16xf32> to vector<16xi32>
        %parallel_loop3A_180 = arith.constant 5 : i32
        %parallel_loop3A_181 = arith.index_cast %parallel_loop3A_180 : i32 to index
        %parallel_loop3A_182 = arith.index_cast %parallel_loop3A_123 : i32 to index
        %parallel_loop3A_183 = tpu.vector_load %arg7[%parallel_loop3A_181, %parallel_loop3A_182] {strides = array<i32>} : memref<8x4096xi32, #tpu.memory_space<vmem>>, vector<16xi32>,
        tpu.vector_store %arg7[%parallel_loop3A_181, %parallel_loop3A_182], %parallel_loop3A_179 {strides = array<i32>} : memref<8x4096xi32, #tpu.memory_space<vmem>>, vector<16xi32>,
        %parallel_loop3A_184 = arith.constant 6 : i32
        %parallel_loop3A_185 = arith.index_cast %parallel_loop3A_184 : i32 to index
        %parallel_loop3A_186 = arith.index_cast %parallel_loop3A_123 : i32 to index
        %parallel_loop3A_187 = tpu.vector_load %arg7[%parallel_loop3A_185, %parallel_loop3A_186] {strides = array<i32>} : memref<8x4096xi32, #tpu.memory_space<vmem>>, vector<16xi32>,
        %parallel_loop3A_188 = tpu.vector_load_idx %arg5[%parallel_loop3A_187] : memref<4096xf32, #tpu.memory_space<vmem>>[vector<16xi32>], vector<16xf32>,
        %parallel_loop3A_189 = vector.bitcast %parallel_loop3A_188 : vector<16xf32> to vector<16xi32>
        %parallel_loop3A_190 = arith.constant 6 : i32
        %parallel_loop3A_191 = arith.index_cast %parallel_loop3A_190 : i32 to index
        %parallel_loop3A_192 = arith.index_cast %parallel_loop3A_123 : i32 to index
        %parallel_loop3A_193 = tpu.vector_load %arg7[%parallel_loop3A_191, %parallel_loop3A_192] {strides = array<i32>} : memref<8x4096xi32, #tpu.memory_space<vmem>>, vector<16xi32>,
        tpu.vector_store %arg7[%parallel_loop3A_191, %parallel_loop3A_192], %parallel_loop3A_189 {strides = array<i32>} : memref<8x4096xi32, #tpu.memory_space<vmem>>, vector<16xi32>,
        %parallel_loop3A_194 = arith.constant 7 : i32
        %parallel_loop3A_195 = arith.index_cast %parallel_loop3A_194 : i32 to index
        %parallel_loop3A_196 = arith.index_cast %parallel_loop3A_123 : i32 to index
        %parallel_loop3A_197 = tpu.vector_load %arg7[%parallel_loop3A_195, %parallel_loop3A_196] {strides = array<i32>} : memref<8x4096xi32, #tpu.memory_space<vmem>>, vector<16xi32>,
        %parallel_loop3A_198 = tpu.vector_load_idx %arg5[%parallel_loop3A_197] : memref<4096xf32, #tpu.memory_space<vmem>>[vector<16xi32>], vector<16xf32>,
        %parallel_loop3A_199 = vector.bitcast %parallel_loop3A_198 : vector<16xf32> to vector<16xi32>
        %parallel_loop3A_200 = arith.constant 7 : i32
        %parallel_loop3A_201 = arith.index_cast %parallel_loop3A_200 : i32 to index
        %parallel_loop3A_202 = arith.index_cast %parallel_loop3A_123 : i32 to index
        %parallel_loop3A_203 = tpu.vector_load %arg7[%parallel_loop3A_201, %parallel_loop3A_202] {strides = array<i32>} : memref<8x4096xi32, #tpu.memory_space<vmem>>, vector<16xi32>,
        tpu.vector_store %arg7[%parallel_loop3A_201, %parallel_loop3A_202], %parallel_loop3A_199 {strides = array<i32>} : memref<8x4096xi32, #tpu.memory_space<vmem>>, vector<16xi32>,
      } {sc.loop_unroll_factor = 2 : i64, sc.parallel_access}
      %mul3A_82 = arith.constant 8 : i32
      %mul3A_83 = arith.muli %add3A_60, %mul3A_82 : i32
      %add3A_84 = arith.addi %mul3A_2, %mul3A_83 : i32
      %dma_start3A_85 = tpu.memref_bitcast %arg7 : memref<8x4096xi32, #tpu.memory_space<vmem>> -> memref<8x4096xf32, #tpu.memory_space<vmem>>
      %dma_start3A_86 = arith.constant 0 : i32
      %dma_start3A_87 = tpu.memref_slice %arg4[%add3A_84, %dma_start3A_86] : memref<3072x4096xf32, #tpu.memory_space<hbm>> -> memref<8x4096xf32, #tpu.memory_space<hbm>>
      %dma_start3A_88 = arith.constant 0 : i32
      %dma_start3A_89 = tpu.memref_slice %arg4[%add3A_84, %dma_start3A_88] : memref<3072x4096xf32, #tpu.memory_space<hbm>> -> memref<8x4096xf32, #tpu.memory_space<hbm>>
      %dma_start3A_90 = tpu.memref_bitcast %arg7 : memref<8x4096xi32, #tpu.memory_space<vmem>> -> memref<8x4096xf32, #tpu.memory_space<vmem>>
      tpu.enqueue_dma source(%dma_start3A_90 : memref<8x4096xf32, #tpu.memory_space<vmem>>) target(%dma_start3A_89 : memref<8x4096xf32, #tpu.memory_space<hbm>>) target_semaphore(%arg10 : memref<!tpu.dma_semaphore, #tpu.memory_space<semaphore_mem>>)
      %add3A_91 = arith.constant 2 : i32
      %add3A_92 = arith.addi %add3A_31, %add3A_91 : i32
      %ge3A_93 = arith.constant 2 : i32
      %ge3A_94 = arith.cmpi sge, %add3A_92, %ge3A_93 : i32
      %convert_element_type3A_95 = arith.extui %ge3A_94 : i1 to i32
      %cond3A_96 = arith.constant 0 : i32
      %cond3A_97 = arith.cmpi ne, %convert_element_type3A_95, %cond3A_96 : i32
      scf.if %cond3A_97 {
        %dma_wait3A_123 = tpu.memref_bitcast %arg6 : memref<8x4096xi32, #tpu.memory_space<vmem>> -> memref<8x4096xf32, #tpu.memory_space<vmem>>
        %dma_wait3A_124 = arith.constant 0 : i32
        %dma_wait3A_125 = arith.constant 0 : i32
        %dma_wait3A_126 = tpu.memref_slice %arg4[%dma_wait3A_124, %dma_wait3A_125] : memref<3072x4096xf32, #tpu.memory_space<hbm>> -> memref<8x4096xf32, #tpu.memory_space<hbm>>
        %dma_wait3A_127 = arith.constant 0 : i32
        %dma_wait3A_128 = arith.constant 0 : i32
        %dma_wait3A_129 = tpu.memref_slice %arg4[%dma_wait3A_127, %dma_wait3A_128] : memref<3072x4096xf32, #tpu.memory_space<hbm>> -> memref<8x4096xf32, #tpu.memory_space<hbm>>
        %dma_wait3A_130 = tpu.memref_bitcast %arg6 : memref<8x4096xi32, #tpu.memory_space<vmem>> -> memref<8x4096xf32, #tpu.memory_space<vmem>>
        tpu.wait_dma2 semaphore(%arg9 : memref<!tpu.dma_semaphore, #tpu.memory_space<semaphore_mem>>) src(%dma_wait3A_130 : memref<8x4096xf32, #tpu.memory_space<vmem>>) dst(%dma_wait3A_129 : memref<8x4096xf32, #tpu.memory_space<hbm>>)
      } else {
      }
      %add3A_98 = arith.constant 1 : i32
      %add3A_99 = arith.addi %add3A_92, %add3A_98 : i32
      %lt3A_100 = arith.constant 12 : i32
      %lt3A_101 = arith.cmpi slt, %add3A_99, %lt3A_100 : i32
      %convert_element_type3A_102 = arith.extui %lt3A_101 : i1 to i32
      %cond3A_103 = arith.constant 0 : i32
      %cond3A_104 = arith.cmpi ne, %convert_element_type3A_102, %cond3A_103 : i32
      scf.if %cond3A_104 {
        %add3A_123 = arith.constant 1 : i32
        %add3A_124 = arith.addi %add3A_92, %add3A_123 : i32
        %mul3A_125 = arith.constant 8 : i32
        %mul3A_126 = arith.muli %add3A_124, %mul3A_125 : i32
        %add3A_127 = arith.addi %mul3A_2, %mul3A_126 : i32
        %dma_start3A_128 = arith.constant 0 : i32
        %dma_start3A_129 = tpu.memref_slice %arg2[%add3A_127, %dma_start3A_128] : memref<3072x4096xi32, #tpu.memory_space<hbm>> -> memref<8x4096xi32, #tpu.memory_space<hbm>>
        %dma_start3A_130 = arith.constant 0 : i32
        %dma_start3A_131 = tpu.memref_slice %arg2[%add3A_127, %dma_start3A_130] : memref<3072x4096xi32, #tpu.memory_space<hbm>> -> memref<8x4096xi32, #tpu.memory_space<hbm>>
        tpu.enqueue_dma source(%dma_start3A_131 : memref<8x4096xi32, #tpu.memory_space<hbm>>) target(%arg6 : memref<8x4096xi32, #tpu.memory_space<vmem>>) target_semaphore(%arg9 : memref<!tpu.dma_semaphore, #tpu.memory_space<semaphore_mem>>)
      } else {
      }
      %dma_wait3A_105 = arith.constant 0 : i32
      %dma_wait3A_106 = arith.constant 0 : i32
      %dma_wait3A_107 = tpu.memref_slice %arg2[%dma_wait3A_105, %dma_wait3A_106] : memref<3072x4096xi32, #tpu.memory_space<hbm>> -> memref<8x4096xi32, #tpu.memory_space<hbm>>
      %dma_wait3A_108 = arith.constant 0 : i32
      %dma_wait3A_109 = arith.constant 0 : i32
      %dma_wait3A_110 = tpu.memref_slice %arg2[%dma_wait3A_108, %dma_wait3A_109] : memref<3072x4096xi32, #tpu.memory_space<hbm>> -> memref<8x4096xi32, #tpu.memory_space<hbm>>
      tpu.wait_dma2 semaphore(%arg11 : memref<!tpu.dma_semaphore, #tpu.memory_space<semaphore_mem>>) src(%dma_wait3A_110 : memref<8x4096xi32, #tpu.memory_space<hbm>>) dst(%arg8 : memref<8x4096xi32, #tpu.memory_space<vmem>>)
      %parallel_loop3A_111 = arith.constant 0 : i32
      %parallel_loop3A_112 = arith.constant 4096 : i32
      %parallel_loop3A_113 = arith.constant 16 : i32
      scf.for %parallel_loop3A_123 = %parallel_loop3A_111 to %parallel_loop3A_112 step %parallel_loop3A_113  : i32 {
        %parallel_loop3A_124 = arith.constant 0 : i32
        %parallel_loop3A_125 = arith.index_cast %parallel_loop3A_124 : i32 to index
        %parallel_loop3A_126 = arith.index_cast %parallel_loop3A_123 : i32 to index
        %parallel_loop3A_127 = tpu.vector_load %arg8[%parallel_loop3A_125, %parallel_loop3A_126] {strides = array<i32>} : memref<8x4096xi32, #tpu.memory_space<vmem>>, vector<16xi32>,
        %parallel_loop3A_128 = tpu.vector_load_idx %arg5[%parallel_loop3A_127] : memref<4096xf32, #tpu.memory_space<vmem>>[vector<16xi32>], vector<16xf32>,
        %parallel_loop3A_129 = vector.bitcast %parallel_loop3A_128 : vector<16xf32> to vector<16xi32>
        %parallel_loop3A_130 = arith.constant 0 : i32
        %parallel_loop3A_131 = arith.index_cast %parallel_loop3A_130 : i32 to index
        %parallel_loop3A_132 = arith.index_cast %parallel_loop3A_123 : i32 to index
        %parallel_loop3A_133 = tpu.vector_load %arg8[%parallel_loop3A_131, %parallel_loop3A_132] {strides = array<i32>} : memref<8x4096xi32, #tpu.memory_space<vmem>>, vector<16xi32>,
        tpu.vector_store %arg8[%parallel_loop3A_131, %parallel_loop3A_132], %parallel_loop3A_129 {strides = array<i32>} : memref<8x4096xi32, #tpu.memory_space<vmem>>, vector<16xi32>,
        %parallel_loop3A_134 = arith.constant 1 : i32
        %parallel_loop3A_135 = arith.index_cast %parallel_loop3A_134 : i32 to index
        %parallel_loop3A_136 = arith.index_cast %parallel_loop3A_123 : i32 to index
        %parallel_loop3A_137 = tpu.vector_load %arg8[%parallel_loop3A_135, %parallel_loop3A_136] {strides = array<i32>} : memref<8x4096xi32, #tpu.memory_space<vmem>>, vector<16xi32>,
        %parallel_loop3A_138 = tpu.vector_load_idx %arg5[%parallel_loop3A_137] : memref<4096xf32, #tpu.memory_space<vmem>>[vector<16xi32>], vector<16xf32>,
        %parallel_loop3A_139 = vector.bitcast %parallel_loop3A_138 : vector<16xf32> to vector<16xi32>
        %parallel_loop3A_140 = arith.constant 1 : i32
        %parallel_loop3A_141 = arith.index_cast %parallel_loop3A_140 : i32 to index
        %parallel_loop3A_142 = arith.index_cast %parallel_loop3A_123 : i32 to index
        %parallel_loop3A_143 = tpu.vector_load %arg8[%parallel_loop3A_141, %parallel_loop3A_142] {strides = array<i32>} : memref<8x4096xi32, #tpu.memory_space<vmem>>, vector<16xi32>,
        tpu.vector_store %arg8[%parallel_loop3A_141, %parallel_loop3A_142], %parallel_loop3A_139 {strides = array<i32>} : memref<8x4096xi32, #tpu.memory_space<vmem>>, vector<16xi32>,
        %parallel_loop3A_144 = arith.constant 2 : i32
        %parallel_loop3A_145 = arith.index_cast %parallel_loop3A_144 : i32 to index
        %parallel_loop3A_146 = arith.index_cast %parallel_loop3A_123 : i32 to index
        %parallel_loop3A_147 = tpu.vector_load %arg8[%parallel_loop3A_145, %parallel_loop3A_146] {strides = array<i32>} : memref<8x4096xi32, #tpu.memory_space<vmem>>, vector<16xi32>,
        %parallel_loop3A_148 = tpu.vector_load_idx %arg5[%parallel_loop3A_147] : memref<4096xf32, #tpu.memory_space<vmem>>[vector<16xi32>], vector<16xf32>,
        %parallel_loop3A_149 = vector.bitcast %parallel_loop3A_148 : vector<16xf32> to vector<16xi32>
        %parallel_loop3A_150 = arith.constant 2 : i32
        %parallel_loop3A_151 = arith.index_cast %parallel_loop3A_150 : i32 to index
        %parallel_loop3A_152 = arith.index_cast %parallel_loop3A_123 : i32 to index
        %parallel_loop3A_153 = tpu.vector_load %arg8[%parallel_loop3A_151, %parallel_loop3A_152] {strides = array<i32>} : memref<8x4096xi32, #tpu.memory_space<vmem>>, vector<16xi32>,
        tpu.vector_store %arg8[%parallel_loop3A_151, %parallel_loop3A_152], %parallel_loop3A_149 {strides = array<i32>} : memref<8x4096xi32, #tpu.memory_space<vmem>>, vector<16xi32>,
        %parallel_loop3A_154 = arith.constant 3 : i32
        %parallel_loop3A_155 = arith.index_cast %parallel_loop3A_154 : i32 to index
        %parallel_loop3A_156 = arith.index_cast %parallel_loop3A_123 : i32 to index
        %parallel_loop3A_157 = tpu.vector_load %arg8[%parallel_loop3A_155, %parallel_loop3A_156] {strides = array<i32>} : memref<8x4096xi32, #tpu.memory_space<vmem>>, vector<16xi32>,
        %parallel_loop3A_158 = tpu.vector_load_idx %arg5[%parallel_loop3A_157] : memref<4096xf32, #tpu.memory_space<vmem>>[vector<16xi32>], vector<16xf32>,
        %parallel_loop3A_159 = vector.bitcast %parallel_loop3A_158 : vector<16xf32> to vector<16xi32>
        %parallel_loop3A_160 = arith.constant 3 : i32
        %parallel_loop3A_161 = arith.index_cast %parallel_loop3A_160 : i32 to index
        %parallel_loop3A_162 = arith.index_cast %parallel_loop3A_123 : i32 to index
        %parallel_loop3A_163 = tpu.vector_load %arg8[%parallel_loop3A_161, %parallel_loop3A_162] {strides = array<i32>} : memref<8x4096xi32, #tpu.memory_space<vmem>>, vector<16xi32>,
        tpu.vector_store %arg8[%parallel_loop3A_161, %parallel_loop3A_162], %parallel_loop3A_159 {strides = array<i32>} : memref<8x4096xi32, #tpu.memory_space<vmem>>, vector<16xi32>,
        %parallel_loop3A_164 = arith.constant 4 : i32
        %parallel_loop3A_165 = arith.index_cast %parallel_loop3A_164 : i32 to index
        %parallel_loop3A_166 = arith.index_cast %parallel_loop3A_123 : i32 to index
        %parallel_loop3A_167 = tpu.vector_load %arg8[%parallel_loop3A_165, %parallel_loop3A_166] {strides = array<i32>} : memref<8x4096xi32, #tpu.memory_space<vmem>>, vector<16xi32>,
        %parallel_loop3A_168 = tpu.vector_load_idx %arg5[%parallel_loop3A_167] : memref<4096xf32, #tpu.memory_space<vmem>>[vector<16xi32>], vector<16xf32>,
        %parallel_loop3A_169 = vector.bitcast %parallel_loop3A_168 : vector<16xf32> to vector<16xi32>
        %parallel_loop3A_170 = arith.constant 4 : i32
        %parallel_loop3A_171 = arith.index_cast %parallel_loop3A_170 : i32 to index
        %parallel_loop3A_172 = arith.index_cast %parallel_loop3A_123 : i32 to index
        %parallel_loop3A_173 = tpu.vector_load %arg8[%parallel_loop3A_171, %parallel_loop3A_172] {strides = array<i32>} : memref<8x4096xi32, #tpu.memory_space<vmem>>, vector<16xi32>,
        tpu.vector_store %arg8[%parallel_loop3A_171, %parallel_loop3A_172], %parallel_loop3A_169 {strides = array<i32>} : memref<8x4096xi32, #tpu.memory_space<vmem>>, vector<16xi32>,
        %parallel_loop3A_174 = arith.constant 5 : i32
        %parallel_loop3A_175 = arith.index_cast %parallel_loop3A_174 : i32 to index
        %parallel_loop3A_176 = arith.index_cast %parallel_loop3A_123 : i32 to index
        %parallel_loop3A_177 = tpu.vector_load %arg8[%parallel_loop3A_175, %parallel_loop3A_176] {strides = array<i32>} : memref<8x4096xi32, #tpu.memory_space<vmem>>, vector<16xi32>,
        %parallel_loop3A_178 = tpu.vector_load_idx %arg5[%parallel_loop3A_177] : memref<4096xf32, #tpu.memory_space<vmem>>[vector<16xi32>], vector<16xf32>,
        %parallel_loop3A_179 = vector.bitcast %parallel_loop3A_178 : vector<16xf32> to vector<16xi32>
        %parallel_loop3A_180 = arith.constant 5 : i32
        %parallel_loop3A_181 = arith.index_cast %parallel_loop3A_180 : i32 to index
        %parallel_loop3A_182 = arith.index_cast %parallel_loop3A_123 : i32 to index
        %parallel_loop3A_183 = tpu.vector_load %arg8[%parallel_loop3A_181, %parallel_loop3A_182] {strides = array<i32>} : memref<8x4096xi32, #tpu.memory_space<vmem>>, vector<16xi32>,
        tpu.vector_store %arg8[%parallel_loop3A_181, %parallel_loop3A_182], %parallel_loop3A_179 {strides = array<i32>} : memref<8x4096xi32, #tpu.memory_space<vmem>>, vector<16xi32>,
        %parallel_loop3A_184 = arith.constant 6 : i32
        %parallel_loop3A_185 = arith.index_cast %parallel_loop3A_184 : i32 to index
        %parallel_loop3A_186 = arith.index_cast %parallel_loop3A_123 : i32 to index
        %parallel_loop3A_187 = tpu.vector_load %arg8[%parallel_loop3A_185, %parallel_loop3A_186] {strides = array<i32>} : memref<8x4096xi32, #tpu.memory_space<vmem>>, vector<16xi32>,
        %parallel_loop3A_188 = tpu.vector_load_idx %arg5[%parallel_loop3A_187] : memref<4096xf32, #tpu.memory_space<vmem>>[vector<16xi32>], vector<16xf32>,
        %parallel_loop3A_189 = vector.bitcast %parallel_loop3A_188 : vector<16xf32> to vector<16xi32>
        %parallel_loop3A_190 = arith.constant 6 : i32
        %parallel_loop3A_191 = arith.index_cast %parallel_loop3A_190 : i32 to index
        %parallel_loop3A_192 = arith.index_cast %parallel_loop3A_123 : i32 to index
        %parallel_loop3A_193 = tpu.vector_load %arg8[%parallel_loop3A_191, %parallel_loop3A_192] {strides = array<i32>} : memref<8x4096xi32, #tpu.memory_space<vmem>>, vector<16xi32>,
        tpu.vector_store %arg8[%parallel_loop3A_191, %parallel_loop3A_192], %parallel_loop3A_189 {strides = array<i32>} : memref<8x4096xi32, #tpu.memory_space<vmem>>, vector<16xi32>,
        %parallel_loop3A_194 = arith.constant 7 : i32
        %parallel_loop3A_195 = arith.index_cast %parallel_loop3A_194 : i32 to index
        %parallel_loop3A_196 = arith.index_cast %parallel_loop3A_123 : i32 to index
        %parallel_loop3A_197 = tpu.vector_load %arg8[%parallel_loop3A_195, %parallel_loop3A_196] {strides = array<i32>} : memref<8x4096xi32, #tpu.memory_space<vmem>>, vector<16xi32>,
        %parallel_loop3A_198 = tpu.vector_load_idx %arg5[%parallel_loop3A_197] : memref<4096xf32, #tpu.memory_space<vmem>>[vector<16xi32>], vector<16xf32>,
        %parallel_loop3A_199 = vector.bitcast %parallel_loop3A_198 : vector<16xf32> to vector<16xi32>
        %parallel_loop3A_200 = arith.constant 7 : i32
        %parallel_loop3A_201 = arith.index_cast %parallel_loop3A_200 : i32 to index
        %parallel_loop3A_202 = arith.index_cast %parallel_loop3A_123 : i32 to index
        %parallel_loop3A_203 = tpu.vector_load %arg8[%parallel_loop3A_201, %parallel_loop3A_202] {strides = array<i32>} : memref<8x4096xi32, #tpu.memory_space<vmem>>, vector<16xi32>,
        tpu.vector_store %arg8[%parallel_loop3A_201, %parallel_loop3A_202], %parallel_loop3A_199 {strides = array<i32>} : memref<8x4096xi32, #tpu.memory_space<vmem>>, vector<16xi32>,
      } {sc.loop_unroll_factor = 2 : i64, sc.parallel_access}
      %mul3A_114 = arith.constant 8 : i32
      %mul3A_115 = arith.muli %add3A_92, %mul3A_114 : i32
      %add3A_116 = arith.addi %mul3A_2, %mul3A_115 : i32
      %dma_start3A_117 = tpu.memref_bitcast %arg8 : memref<8x4096xi32, #tpu.memory_space<vmem>> -> memref<8x4096xf32, #tpu.memory_space<vmem>>
      %dma_start3A_118 = arith.constant 0 : i32
      %dma_start3A_119 = tpu.memref_slice %arg4[%add3A_116, %dma_start3A_118] : memref<3072x4096xf32, #tpu.memory_space<hbm>> -> memref<8x4096xf32, #tpu.memory_space<hbm>>
      %dma_start3A_120 = arith.constant 0 : i32
      %dma_start3A_121 = tpu.memref_slice %arg4[%add3A_116, %dma_start3A_120] : memref<3072x4096xf32, #tpu.memory_space<hbm>> -> memref<8x4096xf32, #tpu.memory_space<hbm>>
      %dma_start3A_122 = tpu.memref_bitcast %arg8 : memref<8x4096xi32, #tpu.memory_space<vmem>> -> memref<8x4096xf32, #tpu.memory_space<vmem>>
      tpu.enqueue_dma source(%dma_start3A_122 : memref<8x4096xf32, #tpu.memory_space<vmem>>) target(%dma_start3A_121 : memref<8x4096xf32, #tpu.memory_space<hbm>>) target_semaphore(%arg11 : memref<!tpu.dma_semaphore, #tpu.memory_space<semaphore_mem>>)
    }
    %scan3A_11 = arith.constant 4 : i32
    %dma_wait3A = tpu.memref_bitcast %arg7 : memref<8x4096xi32, #tpu.memory_space<vmem>> -> memref<8x4096xf32, #tpu.memory_space<vmem>>
    %dma_wait3A_12 = arith.constant 0 : i32
    %dma_wait3A_13 = arith.constant 0 : i32
    %dma_wait3A_14 = tpu.memref_slice %arg4[%dma_wait3A_12, %dma_wait3A_13] : memref<3072x4096xf32, #tpu.memory_space<hbm>> -> memref<8x4096xf32, #tpu.memory_space<hbm>>
    %dma_wait3A_15 = arith.constant 0 : i32
    %dma_wait3A_16 = arith.constant 0 : i32
    %dma_wait3A_17 = tpu.memref_slice %arg4[%dma_wait3A_15, %dma_wait3A_16] : memref<3072x4096xf32, #tpu.memory_space<hbm>> -> memref<8x4096xf32, #tpu.memory_space<hbm>>
    %dma_wait3A_18 = tpu.memref_bitcast %arg7 : memref<8x4096xi32, #tpu.memory_space<vmem>> -> memref<8x4096xf32, #tpu.memory_space<vmem>>
    tpu.wait_dma2 semaphore(%arg10 : memref<!tpu.dma_semaphore, #tpu.memory_space<semaphore_mem>>) src(%dma_wait3A_18 : memref<8x4096xf32, #tpu.memory_space<vmem>>) dst(%dma_wait3A_17 : memref<8x4096xf32, #tpu.memory_space<hbm>>)
    %dma_wait3A_19 = tpu.memref_bitcast %arg8 : memref<8x4096xi32, #tpu.memory_space<vmem>> -> memref<8x4096xf32, #tpu.memory_space<vmem>>
    %dma_wait3A_20 = arith.constant 0 : i32
    %dma_wait3A_21 = arith.constant 0 : i32
    %dma_wait3A_22 = tpu.memref_slice %arg4[%dma_wait3A_20, %dma_wait3A_21] : memref<3072x4096xf32, #tpu.memory_space<hbm>> -> memref<8x4096xf32, #tpu.memory_space<hbm>>
    %dma_wait3A_23 = arith.constant 0 : i32
    %dma_wait3A_24 = arith.constant 0 : i32
    %dma_wait3A_25 = tpu.memref_slice %arg4[%dma_wait3A_23, %dma_wait3A_24] : memref<3072x4096xf32, #tpu.memory_space<hbm>> -> memref<8x4096xf32, #tpu.memory_space<hbm>>
    %dma_wait3A_26 = tpu.memref_bitcast %arg8 : memref<8x4096xi32, #tpu.memory_space<vmem>> -> memref<8x4096xf32, #tpu.memory_space<vmem>>
    tpu.wait_dma2 semaphore(%arg11 : memref<!tpu.dma_semaphore, #tpu.memory_space<semaphore_mem>>) src(%dma_wait3A_26 : memref<8x4096xf32, #tpu.memory_space<vmem>>) dst(%dma_wait3A_25 : memref<8x4096xf32, #tpu.memory_space<hbm>>)
    return
  }
}

</mosaic_0001>

<sc_bundles>
// kernel: kernel.3.cloned.1.call-start
scs
__scs_entry_jumppad:
0x0: {  	(pc) =	sbr.rel $0x88, $3  }
0x1: {  	(tag) =	ssettag $0x0;
	lr =	simm.s32 $0x1  }
0x2: {  	[smem:$0x3F9F] =	sst lr;
	_ =	strace $0xD0000000  }
0x3: {  	_ = 	snop  }
0x4: {  	_ = 	snop  }
0x5: {  	_ = 	snop  }
0x6: {  	_ = 	snop  }
0x7: {  	_ = 	snop  }
__scs_overlays_trampoline_lowered:
0x8: {  	[smem:$0x3FAE] =	sst s0  }
0x9: {  	[smem:$0x3FAF] =	sst s1  }
0xa: {  	[smem:$0x3FB0] =	sst s2  }
0xb: {  	[smem:$0x3FB1] =	sst s3  }
0xc: {  	[smem:$0x3FB2] =	sst s4  }
0xd: {  	[smem:$0x3FB3] =	sst s5  }
0xe: {  	[smem:$0x3FB4] =	sst s6  }
0xf: {  	[smem:$0x3FB5] =	sst s7  }
0x10: {  	[smem:$0x3FB6] =	sst s8  }
0x11: {  	[smem:$0x3FB7] =	sst s9;
	s0 =	simm.s32 @!p0 $0x0  }
0x12: {  	s1 =	sld [smem:$0x3F9D];
	s0 =	simm.s32 @p0 $0x1  }
0x13: {  	[smem:$0x3FB8] =	sst s0;
	s0 =	simm.s32 @!p1 $0x0  }
0x14: {  	s2 =	sld [smem:$0x3F9C];
	s0 =	simm.s32 @p1 $0x1  }
0x15: {  	[smem:$0x3FB9] =	sst s0;
	s0 =	simm.s32 @!p2 $0x0  }
0x16: {  	s3 =	sld [smem:$0x3FDB];
	s0 =	simm.s32 @p2 $0x1  }
0x17: {  	s4 =	simm.s32 $0x1BF5;
	[smem:$0x3FBB] =	sst s0  }
0x18: {  	s0 =	sld [smem:$0x3F9E];
	_ =	swait.ge [sflag:s4], $0x0  }
0x19: {  	s7 =	sld [smem:$0x3F9F]  }
0x1a: {  	s8 =	sadd.s32 $0xFFFFE003, lr  }
0x1b: {  	s9 =	sadd.s32 $0xFFFFFEF7, lr;
	s5 =	simm.s32 $0xFFFFFFFF;
	p2 =	slt.u32 s8, $0xFFFFF086  }
0x1c: {  	p1 =	slt.u32 s9, $0xF7A;
	s5 =	simm.s32 @!p2 $0x0  }
0x1d: {  	s5 =	simm.s32 @p1 $0x1;
	p0 =	seq.s32 s7, s2  }
0x1e: {  	s7 =	smul.u32 @!p0 $0xF7A, s2;
	p2 =	seq.s32 @!p0 s5, $0x0  }
0x1f: {  	s9 =	smul.u32 $0xF7A, s1;
	s8 =	simm.s32 @!p0 $0x1BF5;
	p2 =	por !p2, p0  }
0x20: {  	[sflag:s8] =	ssyncset.s32 @!p0 $0xFFFFF086;
	s6 =	sadd.s32 @!p0 s3, s7;
	s7 =	simm.s32 @!p0 $0x108  }
0x21: {  	s3 =	sadd.s32 s3, s9;
	s6 =	sadd.s32 @!p0 $0x88, s6;
	s7 =	simm.s32 @p2 $0x1082  }
0x22: {  	[simem:s7], [sflag:s8] =	dma.local @!p0 [hbm:s6], $0xF7A  }
0x23: {  	s9 =	sor.u32 $0xD0000000, s2;
	s6 =	simm.s32 $0x108;
	_ =	swait.ge @!p0 [sflag:s8], $0x0  }
0x24: {  	s3 =	sadd.s32 $0x88, s3;
	s6 =	simm.s32 @!p1 $0x1082;
	[sflag:s4] =	ssyncset.s32 $0xFFFFF086  }
0x25: {  	[simem:s6], [sflag:s4] =	dma.local [hbm:s3], $0xF7A  }
0x26: {  	[smem:$0x3F9F] =	sst s1;
	(tag) =	ssettag s2;
	_ =	strace s9  }
0x27: {  	s1 =	sld [smem:$0x3FAF]  }
0x28: {  	s2 =	sld [smem:$0x3FB0]  }
0x29: {  	s4 =	sld [smem:$0x3FB2]  }
0x2a: {  	p0 =	seq.s32 s5, $0x0;
	s5 =	sld [smem:$0x3FB3]  }
0x2b: {  	s6 =	sld [smem:$0x3FB4]  }
0x2c: {  	s7 =	sld [smem:$0x3FB5]  }
0x2d: {  	s3 =	simm.s32 $0x108;
	s8 =	sld [smem:$0x3FB6]  }
0x2e: {  	s3 =	simm.s32 @!p0 $0x1082;
	s9 =	sld [smem:$0x3FB7]  }
0x2f: {  	lr =	sadd.s32 s0, s3;
	s0 =	sld [smem:$0x3FAE]  }
0x30: {  	s3 =	sld [smem:$0x3FB1]  }
0x31: {  	[smem:$0x3FBA] =	sst s10  }
0x32: {  	s10 =	sld [smem:$0x3FB8];
	_ =	sdelay $0x3  }
0x33: {  	p0 =	seq.s32 s10, $0x1;
	s10 =	sld [smem:$0x3FBA];
	_ =	sdelay $0x3  }
0x34: {  	[smem:$0x3FBA] =	sst s10  }
0x35: {  	s10 =	sld [smem:$0x3FB9];
	_ =	sdelay $0x3  }
0x36: {  	p1 =	seq.s32 s10, $0x1;
	s10 =	sld [smem:$0x3FBA];
	_ =	sdelay $0x3  }
0x37: {  	[smem:$0x3FBA] =	sst s10  }
0x38: {  	s10 =	sld [smem:$0x3FBB]  }
0x39: {  	_ = 	snop;
	(pc) =	sbr.ind lr, $3  }
0x3a: {  	_ = 	snop  }
0x3b: {  	_ = 	snop  }
0x3c: {  	p2 =	seq.s32 s10, $0x1;
	s10 =	sld [smem:$0x3FBA]  }
0x3d: {  	_ =	shalt  }
0x3e: {  	_ =	shalt  }
0x3f: {  	_ =	shalt  }
0x40: {  	_ =	shalt  }
0x41: {  	_ =	shalt  }
0x42: {  	_ =	shalt  }
0x43: {  	_ =	shalt  }
0x44: {  	_ =	shalt  }
0x45: {  	_ =	shalt  }
0x46: {  	_ =	shalt  }
0x47: {  	_ =	shalt  }
0x48: {  	_ =	shalt  }
0x49: {  	_ =	shalt  }
0x4a: {  	_ =	shalt  }
0x4b: {  	_ =	shalt  }
0x4c: {  	_ =	shalt  }
0x4d: {  	_ =	shalt  }
0x4e: {  	_ =	shalt  }
0x4f: {  	_ =	shalt  }
0x50: {  	_ =	shalt  }
0x51: {  	_ =	shalt  }
0x52: {  	_ =	shalt  }
0x53: {  	_ =	shalt  }
0x54: {  	_ =	shalt  }
0x55: {  	_ =	shalt  }
0x56: {  	_ =	shalt  }
0x57: {  	_ =	shalt  }
0x58: {  	_ =	shalt  }
0x59: {  	_ =	shalt  }
0x5a: {  	_ =	shalt  }
0x5b: {  	_ =	shalt  }
0x5c: {  	_ =	shalt  }
0x5d: {  	_ =	shalt  }
0x5e: {  	_ =	shalt  }
0x5f: {  	_ =	shalt  }
0x60: {  	_ =	shalt  }
0x61: {  	_ =	shalt  }
0x62: {  	_ =	shalt  }
0x63: {  	_ =	shalt  }
0x64: {  	_ =	shalt  }
0x65: {  	_ =	shalt  }
0x66: {  	_ =	shalt  }
0x67: {  	_ =	shalt  }
0x68: {  	_ =	shalt  }
0x69: {  	_ =	shalt  }
0x6a: {  	_ =	shalt  }
0x6b: {  	_ =	shalt  }
0x6c: {  	_ =	shalt  }
0x6d: {  	_ =	shalt  }
0x6e: {  	_ =	shalt  }
0x6f: {  	_ =	shalt  }
0x70: {  	_ =	shalt  }
0x71: {  	_ =	shalt  }
0x72: {  	_ =	shalt  }
0x73: {  	_ =	shalt  }
0x74: {  	_ =	shalt  }
0x75: {  	_ =	shalt  }
0x76: {  	_ =	shalt  }
0x77: {  	_ =	shalt  }
0x78: {  	_ =	shalt  }
0x79: {  	_ =	shalt  }
0x7a: {  	_ =	shalt  }
0x7b: {  	_ =	shalt  }
0x7c: {  	_ =	shalt  }
0x7d: {  	_ =	shalt  }
0x7e: {  	_ =	shalt  }
0x7f: {  	_ =	shalt  }
0x80: {  	_ =	shalt  }
0x81: {  	_ =	shalt  }
0x82: {  	_ =	shalt  }
0x83: {  	_ =	shalt  }
0x84: {  	_ =	shalt  }
0x85: {  	_ =	shalt  }
0x86: {  	_ =	shalt  }
0x87: {  	_ =	shalt  }
.Lfunc_end0:
.L_simem_size_0:
called_computation_lowered:
.L_overlay_start_0:
0x88: {  	s2 =	sld [smem:$0x3FD9]  }
0x89: {  	s3 =	sld [smem:$0x3FFE];
	_ =	sdelay $0x1  }
0x8a: {  	s1 =	srdreg.scid  }
0x8b: {  	s0 =	sand.u32 $0x1, s1  }
0x8c: {  	s18 =	sshll.u32 s0, $0xA;
	s2 =	sadd.s32 s3, s2  }
0x8d: {  	s2 =	sadd.s32 s2, s18  }
0x8e: {  	[smem:$0x3FC6] =	sst s2  }
0x8f: {  	_ = 	snop  }
0x90: {  	s2 =	sld [smem:$0x3FC9]  }
0x91: {  	s19 =	sld [smem:$0x3FC8]  }
0x92: {  	s4 =	sld [smem:$0x3FD0];
	(tm) =	ssettm $0x1  }
0x93: {  	s5 =	sld [smem:$0x3FFB];
	_ =	sdelay $0x3  }
0x94: {  	_ =	strace s5  }
0x95: {  	s5 =	sld [smem:$0x3FFC];
	_ =	sdelay $0x3  }
0x96: {  	_ =	strace s5  }
0x97: {  	s5 =	sld [smem:$0x3FFD];
	_ =	sdelay $0x3  }
0x98: {  	_ =	strace s5  }
0x99: {  	_ =	strace $0x8FFFFFFF  }
0x9a: {  	s20 =	sld [smem:$0x3FDB];
	_ =	sdelay $0x1  }
0x9b: {  	s6 =	simm.s32 $_scs_section_size  }
0x9c: {  	s7 =	simm.s32 $_size__tile_overlayer_lowered;
	s8 =	simm.s32 $_tile_overlayer_lowered  }
0x9d: {  	s23 =	simm.s32 $0x1BFF;
	s22 =	sshll.u32 s8, $0x1;
	s5 =	sadd.s32 s6, s20  }
0x9e: {  	s9 =	simm.s32 $0x0;
	s21 =	sshll.u32 s7, $0x1;
	s7 =	sadd.s32 s22, s5  }
0x9f: {  	[timem:s9], [sflag:s23] =	dma.local [hbm:s7], s21  }
0xa0: {  	_ =	swait.ge [sflag:s23], s21  }
0xa1: {  	s6 =	ssub.s32 $0x0, s21;
	[sflag:s23] =	ssyncset.done $0x0  }
0xa2: {  	[sflag:s23] =	ssyncadd.s32 s6;
	_ =	sdelay $0x1  }
0xa3: {  	s24 =	simm.s32 $0x1B8B  }
0xa4: {  	_ =	swait.ge [sflag:s24], $0x1  }
0xa5: {  	[sflag:s24] =	ssyncset.done $0x0  }
0xa6: {  	s25 =	simm.s32 $0x1B8E;
	[sflag:s24] =	ssyncadd.s32 $0xFFFFFFFF  }
0xa7: {  	s26 =	simm.s32 $execute0_lowered;
	[smem:$0x3FD2] =	sst s25  }
0xa8: {  	s6 =	sshll.u32 s26, $0x1;
	_ =	strace $0x80000046;
	[dreg:$0x1] =	wrdreg $0xFFFFFFFF  }
0xa9: {  	s28 =	simm.s32 $_size_execute0_lowered;
	s5 =	sadd.s32 s5, s6;
	[dreg:$0x0] =	wrdreg $0x0  }
0xaa: {  	s6 =	sshll.u32 s28, $0x1;
	[dreg:$0x2] =	wrdreg s5  }
0xab: {  	[dreg:$0x3] =	wrdreg s6  }
0xac: {  	[dreg:$0x4] =	wrdreg $0xC0  }
0xad: {  	_ =	task [dreg:s9], $0x5FFFF  }
0xae: {  	[dreg:$0x1] =	wrdreg $0xFFFFFFFF  }
0xaf: {  	[dreg:$0x0] =	wrdreg $0x60  }
0xb0: {  	[dreg:$0x2] =	wrdreg s2  }
0xb1: {  	[dreg:$0x3] =	wrdreg s19  }
0xb2: {  	[dreg:$0x4] =	wrdreg s4  }
0xb3: {  	[dreg:$0x5] =	wrdreg $0x9  }
0xb4: {  	_ =	task.clear_ibuf [dreg:s9], $0x6FFFF;
	_ =	strace $0x90000046  }
0xb5: {  	s29 =	simm.s32 $0x9;
	_ =	strace $0x80000048  }
0xb6: {  	_ =	swait.ge [sflag:s29], $0x1  }
0xb7: {  	[sflag:s29] =	ssyncadd.s32 $0xFFFFFFFF  }
0xb8: {  	_ =	strace $0x90000048  }
0xb9: {  	_ =	sfence  }
0xba: {  	s30 =	sld [smem:$0x0];
	_ =	sdelay $0x2  }
0xbb: {  	s31 =	sshll.u32 s1, $0xD;
	s1 =	sshrl.u32 s1, $0x2  }
0xbc: {  	s3 =	sand.u32 $0x4000, s31;
	s1 =	sadd.s32 s1, s30  }
0xbd: {  	s0 =	sor.u32 s3, s0;
	s1 =	sshll.u32 s1, $0x11  }
0xbe: {  	s0 =	sor.u32 s1, s0  }
0xbf: {  	s0 =	sadd.s32 $0x8F2B, s0  }
0xc0: {  	[sflag:s0] =	ssyncadd.remote.s32 $0x1  }
0xc1: {  	_ =	sfence.sel $0xFFFF  }
0xc2: {  	[dreg:$0x0] =	wrdreg $0xFFFFFFFF;
	(pc) =	sbr.abs _section_cstart, $3  }
0xc3: {  	[dreg:$0x1] =	wrdreg $0xFFFFFFFF  }
0xc4: {  	_ =	task.clear_ibuf [dreg:s9], $0x2FFFF;
	_ =	strace $0x9FFFFFFF  }
0xc5: {  	(tm) =	ssettm $0x7FFFFFFF  }
tec
execute0_lowered:
.L_overlay_start_1:
0x0: {  	(tag) =	ssettag $0x1  }
0x1: {  	s1 =	rddreg [dreg:$0x0];
	s0 =	srdreg.scid  }
0x2: {  	s2 =	stileid.u32;
	s4 =	rddreg [dreg:$0x2];
	s5 =	simm.s32 $0x0  }
0x3: {  	s14 =	simm.s32 $0x9000;
	s0 =	sand.u32 $0x1, s0;
	s2 =	sshll.u32 s2, $0x1  }
0x4: {  	s15 =	simm.s32 $0x1;
	s16 =	simm.s32 $0x11000;
	s2 =	sor.u32 s0, s2  }
0x5: {  	s17 =	simm.s32 $0x2;
	s0 =	ssub.s32 $0x2, s0;
	s6 =	smul.u32 $0x60, s2  }
0x6: {  	[smem:$0x7FF] =	sst s5;
	s2 =	smul.u32 $0xC000, s2;
	s3 =	sshrl.u32 s0, $0x1  }
0x7: {  	s18 =	simm.s32 $0x3;
	_ =	strace $0x80000047;
	s0 =	ssub.s32 s0, s3  }
0x8: {  	s2 =	sadd.s32 s1, s2;
	s31 =	sshrl.u32 s6, $0x3;
	s0 =	smax.u32 s0, $0x1  }
0x9: {  	[dreg:$0x4] =	wrdreg s2;
	s8 =	sor.u32 $0x1, s31;
	s9 =	sor.u32 $0x2, s31  }
0xa: {  	s10 =	sor.u32 $0x3, s31;
	[dreg:$0x5] =	wrdreg s0;
	s2 =	simm.s32 $0x0  }
.LBB2_1:
0xb: {  	[dreg:$0x6] =	wrdreg s2  }
0xc: {  	s0 =	rddreg [dreg:$0x4];
	s29 =	simm.s32 $0x1000  }
0xd: {  	[tilespmem:s29], [sflag:$0x1] =	stream.linear.gather [hbm4b:s0+s5], $0x8000, $0x38;
	[tilespmem:$0x19000] =	vst v63  }
0xe: {  	s30 =	rddreg [dreg:$0x1];
	s31 =	simm.s32 $0x4  }
0xf: {  	[tilespmem:s5], [sflag:$0x4] =	stream.linear.gather [hbm4b:s30+s5], $0x1000, $0x38;
	[tilespmem:$0x19000] =	vst v63  }
0x10: {  	_ =	swait.ge [sflag:s31], $0x1000  }
0x11: {  	[sflag:s31] =	ssyncset.done $0x0  }
0x12: {  	s20 =	simm.s32 $0x0;
	[sflag:s31] =	ssyncadd.s32 $0xFFFFF000  }
.LBB2_2:
0x13: {  	s22 =	smul.u32 $0x3, s20;
	p0 =	seq.s32 s20, $0x0  }
0x14: {  	s0 =	simm.s32 @!p0 $0x2  }
0x15: {  	_ =	swait.ge @!p0 [sflag:s0], $0x8000;
	s2 =	sadd.s32 s22, s8  }
0x16: {  	[sflag:s0] =	ssyncset.done @!p0 $0x0;
	s23 =	sshll.u32 s2, $0xC  }
0x17: {  	s11 =	simm.s32 $0x0;
	[sflag:s0] =	ssyncadd.s32 @!p0 $0xFFFF8000;
	s7 =	sadd.s32 s1, s23  }
0x18: {  	[tilespmem:s14], [sflag:$0x2] =	stream.linear.gather [hbm4b:s7+s11], $0x8000, $0x38;
	[tilespmem:$0x19000] =	vst v63  }
0x19: {  	s12 =	simm.s32 $0x0;
	_ =	swait.ge [sflag:s15], $0x8000  }
0x1a: {  	s3 =	sand.u32 $0x7C00, s11;
	s0 =	sand.u32 $0x60, s12;
	[sflag:s15] =	ssyncset.done $0x0  }
0x1b: {  	s3 =	sor.u32 s0, s3;
	[sflag:s15] =	ssyncadd.s32 $0xFFFF8000  }
0x1c: {  	v0 =	vld [tilespmem:s3+$0x1010];
	_ =	sdelay $0x5  }
0x1d: {  	v1 =	vld [tilespmem:s3+$0x1090]  }
0x1e: {  	v2 =	vld [tilespmem:s3+$0x1000]  }
0x1f: {  	v0 =	vld.idx.msk [tilespmem:v0+s5+$0x0], $0xffff;
	_ =	sdelay $0x3  }
0x20: {  	v3 =	vld [tilespmem:s3+$0x1110]  }
0x21: {  	v4 =	vld [tilespmem:s3+$0x1080];
	[tilespmem:s3+$0x1010] =	vst v0  }
0x22: {  	v0 =	vld.idx.msk [tilespmem:v1+s5+$0x0], $0xffff  }
0x23: {  	v1 =	vld.idx.msk [tilespmem:v2+s5+$0x0], $0xffff;
	_ =	sdelay $0x1  }
0x24: {  	v5 =	vld [tilespmem:s3+$0x1100]  }
0x25: {  	v2 =	vld [tilespmem:s3+$0x1190]  }
0x26: {  	v6 =	vld [tilespmem:s3+$0x1200];
	[tilespmem:s3+$0x1090] =	vst v0  }
0x27: {  	s13 =	simm.s32 $0x20;
	s7 =	simm.s32 $0x100;
	[tilespmem:s3+$0x1000] =	vst v1;
	v0 =	vld.idx.msk [tilespmem:v3+s5+$0x0], $0xffff  }
0x28: {  	s0 =	sand.u32 $0x60, s13;
	s7 =	sand.u32 $0x7C00, s7;
	v1 =	vld.idx.msk [tilespmem:v4+s5+$0x0], $0xffff  }
0x29: {  	s0 =	sor.u32 s0, s7;
	v7 =	vld [tilespmem:s3+$0x1290]  }
0x2a: {  	v8 =	vld [tilespmem:s0+$0x1000]  }
0x2b: {  	v4 =	vld [tilespmem:s3+$0x1210]  }
0x2c: {  	v3 =	vld [tilespmem:s3+$0x1180];
	[tilespmem:s3+$0x1110] =	vst v0  }
0x2d: {  	[tilespmem:s3+$0x1080] =	vst v1;
	v0 =	vld.idx.msk [tilespmem:v2+s5+$0x0], $0xffff  }
0x2e: {  	v1 =	vld.idx.msk [tilespmem:v5+s5+$0x0], $0xffff  }
0x2f: {  	s21 =	simm.s32 $0x200;
	s13 =	simm.s32 $0x40;
	v2 =	vld [tilespmem:s0+$0x1010]  }
0x30: {  	s26 =	sand.u32 $0x7C00, s21;
	s24 =	sand.u32 $0x60, s13;
	v9 =	vld [tilespmem:s0+$0x1100]  }
0x31: {  	s21 =	sor.u32 s24, s26;
	v10 =	vld [tilespmem:s0+$0x1180]  }
0x32: {  	v11 =	vld [tilespmem:s21+$0x1100];
	[tilespmem:s3+$0x1190] =	vst v0  }
0x33: {  	[tilespmem:s3+$0x1100] =	vst v1;
	v0 =	vld.idx.msk [tilespmem:v4+s5+$0x0], $0xffff  }
0x34: {  	v1 =	vld.idx.msk [tilespmem:v3+s5+$0x0], $0xffff  }
0x35: {  	v3 =	vld [tilespmem:s0+$0x1090]  }
0x36: {  	v5 =	vld [tilespmem:s3+$0x1280]  }
0x37: {  	v2 =	vld.idx.msk [tilespmem:v2+s5+$0x0], $0xffff  }
0x38: {  	v4 =	vld [tilespmem:s0+$0x1080];
	[tilespmem:s3+$0x1210] =	vst v0  }
0x39: {  	v0 =	vld.idx.msk [tilespmem:v7+s5+$0x0], $0xffff  }
0x3a: {  	s2 =	sand.u32 $0x3, s11;
	v7 =	vld.idx.msk [tilespmem:v8+s5+$0x0], $0xffff  }
0x3b: {  	s2 =	sshll.u32 s2, $0x5;
	[tilespmem:s3+$0x1180] =	vst v1;
	v8 =	vld [tilespmem:s0+$0x1110]  }
0x3c: {  	s2 =	sadd.s32 $0x0, s2;
	[tilespmem:s0+$0x1010] =	vst v2;
	v2 =	vld.idx.msk [tilespmem:v6+s5+$0x0], $0xffff  }
0x3d: {  	s19 =	sadd.s32 $0x10, s2;
	v1 =	vld.idx.msk [tilespmem:v3+s5+$0x0], $0xffff  }
0x3e: {  	s11 =	sor.u32 $0x300, s19;
	v6 =	vld [tilespmem:s0+$0x1200];
	[tilespmem:s3+$0x1290] =	vst v0  }
0x3f: {  	[tilespmem:s0+$0x1000] =	vst v7;
	v0 =	vld [tilespmem:s11+$0x1000]  }
0x40: {  	v3 =	vld.idx.msk [tilespmem:v4+s5+$0x0], $0xffff  }
0x41: {  	v4 =	vld [tilespmem:s0+$0x1190];
	[tilespmem:s3+$0x1200] =	vst v2  }
0x42: {  	[tilespmem:s0+$0x1090] =	vst v1;
	v2 =	vld.idx.msk [tilespmem:v5+s5+$0x0], $0xffff  }
0x43: {  	v1 =	vld.idx.msk [tilespmem:v8+s5+$0x0], $0xffff  }
0x44: {  	v8 =	vld [tilespmem:s21+$0x1000]  }
0x45: {  	v5 =	vld [tilespmem:s0+$0x1280];
	[tilespmem:s0+$0x1080] =	vst v3  }
0x46: {  	v3 =	vld.idx.msk [tilespmem:v9+s5+$0x0], $0xffff  }
0x47: {  	[tilespmem:s3+$0x1280] =	vst v2;
	v9 =	vld [tilespmem:s21+$0x1080]  }
0x48: {  	s25 =	sor.u32 $0x300, s2;
	[tilespmem:s0+$0x1110] =	vst v1;
	v1 =	vld [tilespmem:s0+$0x1210]  }
0x49: {  	v2 =	vld [tilespmem:s25+$0x1000]  }
0x4a: {  	v0 =	vld.idx.msk [tilespmem:v0+s5+$0x0], $0xffff  }
0x4b: {  	v4 =	vld.idx.msk [tilespmem:v4+s5+$0x0], $0xffff  }
0x4c: {  	v8 =	vld.idx.msk [tilespmem:v8+s5+$0x0], $0xffff  }
0x4d: {  	[tilespmem:s0+$0x1100] =	vst v3;
	v3 =	vld [tilespmem:s21+$0x1010]  }
0x4e: {  	v7 =	vld.idx.msk [tilespmem:v10+s5+$0x0], $0xffff  }
0x4f: {  	v10 =	vld [tilespmem:s21+$0x1090];
	[tilespmem:s11+$0x1000] =	vst v0  }
0x50: {  	s3 =	sor.u32 $0x380, s19;
	[tilespmem:s0+$0x1190] =	vst v4;
	v4 =	vld [tilespmem:s0+$0x1290]  }
0x51: {  	v0 =	vld [tilespmem:s3+$0x1000]  }
0x52: {  	v1 =	vld.idx.msk [tilespmem:v1+s5+$0x0], $0xffff  }
0x53: {  	[tilespmem:s21+$0x1000] =	vst v8;
	v2 =	vld.idx.msk [tilespmem:v2+s5+$0x0], $0xffff  }
0x54: {  	v8 =	vld.idx.msk [tilespmem:v9+s5+$0x0], $0xffff  }
0x55: {  	v9 =	vld [tilespmem:s21+$0x1190]  }
0x56: {  	v3 =	vld.idx.msk [tilespmem:v3+s5+$0x0], $0xffff  }
0x57: {  	[tilespmem:s0+$0x1180] =	vst v7;
	v7 =	vld [tilespmem:s21+$0x1200]  }
0x58: {  	v6 =	vld.idx.msk [tilespmem:v6+s5+$0x0], $0xffff;
	[tilespmem:s0+$0x1210] =	vst v1  }
0x59: {  	[tilespmem:s25+$0x1000] =	vst v2;
	v2 =	vld [tilespmem:s21+$0x1210]  }
0x5a: {  	v1 =	vld.idx.msk [tilespmem:v4+s5+$0x0], $0xffff  }
0x5b: {  	[tilespmem:s21+$0x1010] =	vst v3;
	v3 =	vld [tilespmem:s21+$0x1110]  }
0x5c: {  	s11 =	simm.s32 $0x1;
	v4 =	vld [tilespmem:s21+$0x1180]  }
0x5d: {  	s24 =	sor.u32 $0x380, s2;
	s7 =	sand.u32 $0x3, s11;
	v10 =	vld.idx.msk [tilespmem:v10+s5+$0x0], $0xffff  }
0x5e: {  	s7 =	sshll.u32 s7, $0x5;
	[tilespmem:s21+$0x1080] =	vst v8;
	v8 =	vld [tilespmem:s24+$0x1000]  }
0x5f: {  	s11 =	sadd.s32 $0x100, s7;
	[tilespmem:s0+$0x1200] =	vst v6;
	v6 =	vld.idx.msk [tilespmem:v11+s5+$0x0], $0xffff  }
0x60: {  	s7 =	sadd.s32 $0x10, s11;
	v0 =	vld.idx.msk [tilespmem:v0+s5+$0x0], $0xffff  }
0x61: {  	s28 =	simm.s32 $0x300;
	s26 =	simm.s32 $0x60;
	s12 =	sor.u32 $0x300, s7;
	v5 =	vld.idx.msk [tilespmem:v5+s5+$0x0], $0xffff;
	[tilespmem:s0+$0x1290] =	vst v1  }
0x62: {  	s19 =	sand.u32 $0x60, s26;
	s25 =	sand.u32 $0x7C00, s28;
	v1 =	vld [tilespmem:s12+$0x1000];
	[tilespmem:s21+$0x1090] =	vst v10  }
0x63: {  	s25 =	sor.u32 s19, s25;
	v3 =	vld.idx.msk [tilespmem:v3+s5+$0x0], $0xffff  }
0x64: {  	[tilespmem:s21+$0x1100] =	vst v6;
	v6 =	vld [tilespmem:s25+$0x1010]  }
0x65: {  	v12 =	vld [tilespmem:s25+$0x1100]  }
0x66: {  	v13 =	vld [tilespmem:s25+$0x1090]  }
0x67: {  	s31 =	sor.u32 $0x300, s11;
	v11 =	vld [tilespmem:s25+$0x1080];
	[tilespmem:s0+$0x1280] =	vst v5  }
0x68: {  	v5 =	vld [tilespmem:s31+$0x1000];
	[tilespmem:s21+$0x1110] =	vst v3  }
0x69: {  	v3 =	vld.idx.msk [tilespmem:v9+s5+$0x0], $0xffff  }
0x6a: {  	v4 =	vld.idx.msk [tilespmem:v4+s5+$0x0], $0xffff  }
0x6b: {  	v1 =	vld.idx.msk [tilespmem:v1+s5+$0x0], $0xffff  }
0x6c: {  	v6 =	vld.idx.msk [tilespmem:v6+s5+$0x0], $0xffff  }
0x6d: {  	v9 =	vld [tilespmem:s25+$0x1000]  }
0x6e: {  	[tilespmem:s21+$0x1190] =	vst v3;
	v3 =	vld [tilespmem:s21+$0x1290]  }
0x6f: {  	v10 =	vld [tilespmem:s21+$0x1280]  }
0x70: {  	v2 =	vld.idx.msk [tilespmem:v2+s5+$0x0], $0xffff  }
0x71: {  	v15 =	vld.idx.msk [tilespmem:v5+s5+$0x0], $0xffff;
	[tilespmem:s12+$0x1000] =	vst v1;
	s12 =	sor.u32 $0x380, s7  }
0x72: {  	v1 =	vld [tilespmem:s12+$0x1000];
	[tilespmem:s25+$0x1010] =	vst v6  }
0x73: {  	[tilespmem:s21+$0x1180] =	vst v4;
	v4 =	vld.idx.msk [tilespmem:v13+s5+$0x0], $0xffff  }
0x74: {  	v6 =	vld [tilespmem:s25+$0x1110]  }
0x75: {  	v9 =	vld.idx.msk [tilespmem:v9+s5+$0x0], $0xffff;
	[tilespmem:s21+$0x1210] =	vst v2  }
0x76: {  	s30 =	simm.s32 $0x2;
	s29 =	sor.u32 $0x380, s11;
	[tilespmem:s31+$0x1000] =	vst v15;
	v2 =	vld.idx.msk [tilespmem:v3+s5+$0x0], $0xffff  }
0x77: {  	s13 =	sand.u32 $0x3, s30;
	[tilespmem:s3+$0x1000] =	vst v0;
	v0 =	vld [tilespmem:s29+$0x1000]  }
0x78: {  	s2 =	sshll.u32 s13, $0x5;
	[tilespmem:s25+$0x1090] =	vst v4;
	v4 =	vld.idx.msk [tilespmem:v8+s5+$0x0], $0xffff  }
0x79: {  	s19 =	sadd.s32 $0x200, s2;
	v8 =	vld [tilespmem:s25+$0x1210]  }
0x7a: {  	s2 =	sadd.s32 $0x10, s19;
	[tilespmem:s25+$0x1000] =	vst v9;
	v9 =	vld.idx.msk [tilespmem:v7+s5+$0x0], $0xffff  }
0x7b: {  	s7 =	sor.u32 $0x300, s2;
	v11 =	vld.idx.msk [tilespmem:v11+s5+$0x0], $0xffff;
	[tilespmem:s21+$0x1290] =	vst v2  }
0x7c: {  	v63 =	vld [tilespmem:s7+$0x1000]  }
0x7d: {  	v14 =	vld.idx.msk [tilespmem:v1+s5+$0x0], $0xffff  }
0x7e: {  	v7 =	vld [tilespmem:s25+$0x1190]  }
0x7f: {  	v16 =	vld.idx.msk [tilespmem:v6+s5+$0x0], $0xffff  }
0x80: {  	v3 =	vld [tilespmem:s25+$0x1180];
	[tilespmem:s21+$0x1200] =	vst v9  }
0x81: {  	[tilespmem:s25+$0x1080] =	vst v11;
	v6 =	vld.idx.msk [tilespmem:v10+s5+$0x0], $0xffff  }
0x82: {  	v9 =	vld.idx.msk [tilespmem:v12+s5+$0x0], $0xffff  }
0x83: {  	v1 =	vld [tilespmem:s25+$0x1200]  }
0x84: {  	[tilespmem:s25+$0x1110] =	vst v16;
	v5 =	vld.idx.msk [tilespmem:v63+s5+$0x0], $0xffff  }
0x85: {  	s3 =	sor.u32 $0x380, s19;
	s0 =	simm.s32 $0x300;
	s31 =	sor.u32 $0x300, s19;
	[tilespmem:s12+$0x1000] =	vst v14;
	v2 =	vld [tilespmem:s25+$0x1280]  }
.LBB2_3:
0x86: {  	s26 =	sadd.s32 $0x20, s26;
	v7 =	vld.idx.msk [tilespmem:v7+s5+$0x0], $0xffff;
	s28 =	sadd.s32 $0x100, s28;
	[tilespmem:s21+$0x1280] =	vst v6;
	s21 =	smov.u32 s25  }
0x87: {  	s11 =	sand.u32 $0x60, s26;
	s13 =	sand.u32 $0x7C00, s28;
	p1 =	slt.u32 s26, $0xFE0;
	[tilespmem:s21+$0x1100] =	vst v9;
	v6 =	vld [tilespmem:s31+$0x1000]  }
0x88: {  	s25 =	sor.u32 s11, s13;
	v3 =	vld.idx.msk [tilespmem:v3+s5+$0x0], $0xffff;
	[tilespmem:s24+$0x1000] =	vst v4;
	s24 =	smov.u32 s29;
	s29 =	smov.u32 s3  }
0x89: {  	s2 =	sor.u32 $0x380, s2;
	v4 =	vld [tilespmem:s25+$0x1010];
	[tilespmem:s7+$0x1000] =	vst v5  }
0x8a: {  	v5 =	vld [tilespmem:s2+$0x1000]  }
0x8b: {  	v9 =	vld [tilespmem:s25+$0x1000]  }
0x8c: {  	[tilespmem:s21+$0x1190] =	vst v7;
	v7 =	vld [tilespmem:s21+$0x1290]  }
0x8d: {  	v8 =	vld.idx.msk [tilespmem:v8+s5+$0x0], $0xffff  }
0x8e: {  	v10 =	vld [tilespmem:s25+$0x1080];
	[tilespmem:s21+$0x1180] =	vst v3  }
0x8f: {  	v11 =	vld [tilespmem:s25+$0x1100]  }
0x90: {  	v12 =	vld [tilespmem:s25+$0x1090]  }
0x91: {  	v4 =	vld.idx.msk [tilespmem:v4+s5+$0x0], $0xffff  }
0x92: {  	v5 =	vld.idx.msk [tilespmem:v5+s5+$0x0], $0xffff  }
0x93: {  	v9 =	vld.idx.msk [tilespmem:v9+s5+$0x0], $0xffff;
	[tilespmem:s21+$0x1210] =	vst v8  }
0x94: {  	v7 =	vld.idx.msk [tilespmem:v7+s5+$0x0], $0xffff  }
0x95: {  	s30 =	sadd.s32 $0x1, s30;
	v3 =	vld [tilespmem:s25+$0x1180]  }
0x96: {  	s3 =	sand.u32 $0x3, s30;
	v8 =	vld [tilespmem:s25+$0x1200]  }
0x97: {  	s3 =	sshll.u32 s3, $0x5;
	[tilespmem:s25+$0x1010] =	vst v4;
	v4 =	vld [tilespmem:s25+$0x1110]  }
0x98: {  	s7 =	sadd.s32 s3, s0;
	s0 =	smov.u32 s28;
	v12 =	vld.idx.msk [tilespmem:v12+s5+$0x0], $0xffff;
	[tilespmem:s2+$0x1000] =	vst v5  }
0x99: {  	s11 =	sor.u32 $0x300, s7;
	s3 =	sor.u32 $0x380, s7;
	s2 =	sadd.s32 $0x10, s7;
	[tilespmem:s25+$0x1000] =	vst v9;
	v5 =	vld.idx.msk [tilespmem:v1+s5+$0x0], $0xffff  }
0x9a: {  	s7 =	sor.u32 $0x300, s2;
	v9 =	vld.idx.msk [tilespmem:v10+s5+$0x0], $0xffff;
	[tilespmem:s21+$0x1290] =	vst v7  }
0x9b: {  	v10 =	vld [tilespmem:s7+$0x1000];
	v1 =	vmov v8  }
0x9c: {  	v8 =	vld [tilespmem:s25+$0x1280]  }
0x9d: {  	v13 =	vld.idx.msk [tilespmem:v6+s5+$0x0], $0xffff  }
0x9e: {  	[tilespmem:s25+$0x1090] =	vst v12;
	v7 =	vld [tilespmem:s25+$0x1190]  }
0x9f: {  	v12 =	vld.idx.msk [tilespmem:v4+s5+$0x0], $0xffff;
	[tilespmem:s21+$0x1200] =	vst v5  }
0xa0: {  	[tilespmem:s25+$0x1080] =	vst v9;
	v6 =	vld.idx.msk [tilespmem:v2+s5+$0x0], $0xffff  }
.Ltmp0:
0xa1: {  	v9 =	vld.idx.msk [tilespmem:v11+s5+$0x0], $0xffff;
	v2 =	vmov v8;
	(pc) =	sbr.rel @p1 .LBB2_3-.Ltmp0, $4  }
0xa2: {  	v4 =	vld.idx.msk [tilespmem:v0+s5+$0x0], $0xffff  }
0xa3: {  	v5 =	vld.idx.msk [tilespmem:v10+s5+$0x0], $0xffff;
	[tilespmem:s31+$0x1000] =	vst v13;
	s31 =	smov.u32 s11  }
0xa4: {  	v0 =	vld [tilespmem:s29+$0x1000]  }
0xa5: {  	[tilespmem:s25+$0x1110] =	vst v12;
	v8 =	vld [tilespmem:s25+$0x1210]  }
0xa6: {  	_ =	sdelay $0x3  }
0xa7: {  	v7 =	vld.idx.msk [tilespmem:v7+s5+$0x0], $0xffff  }
0xa8: {  	[tilespmem:s25+$0x1100] =	vst v9  }
0xa9: {  	v3 =	vld.idx.msk [tilespmem:v3+s5+$0x0], $0xffff;
	_ =	sdelay $0x2  }
0xaa: {  	[tilespmem:s25+$0x1190] =	vst v7;
	v7 =	vld [tilespmem:s25+$0x1290];
	_ =	sdelay $0x1  }
0xab: {  	v8 =	vld.idx.msk [tilespmem:v8+s5+$0x0], $0xffff;
	[tilespmem:s25+$0x1180] =	vst v3  }
0xac: {  	v1 =	vld.idx.msk [tilespmem:v1+s5+$0x0], $0xffff;
	_ =	sdelay $0x3  }
0xad: {  	[tilespmem:s25+$0x1210] =	vst v8  }
0xae: {  	s11 =	sadd.s32 $0x1, s30;
	[tilespmem:s25+$0x1200] =	vst v1;
	v3 =	vld.idx.msk [tilespmem:v7+s5+$0x0], $0xffff  }
0xaf: {  	s11 =	sand.u32 $0x3, s11;
	v1 =	vld.idx.msk [tilespmem:v2+s5+$0x0], $0xffff  }
0xb0: {  	s11 =	sshll.u32 s11, $0x5  }
0xb1: {  	s0 =	sadd.s32 s11, s0  }
0xb2: {  	[tilespmem:s21+$0x1280] =	vst v6;
	s11 =	sadd.s32 $0x10, s0  }
0xb3: {  	s13 =	sor.u32 $0x300, s11;
	[tilespmem:s25+$0x1290] =	vst v3;
	v3 =	vld [tilespmem:s31+$0x1000]  }
0xb4: {  	s12 =	sor.u32 $0x300, s0;
	[tilespmem:s25+$0x1280] =	vst v1;
	v2 =	vld [tilespmem:s13+$0x1000]  }
0xb5: {  	v1 =	vld [tilespmem:s12+$0x1000];
	_ =	sdelay $0x5  }
0xb6: {  	v3 =	vld.idx.msk [tilespmem:v3+s5+$0x0], $0xffff  }
0xb7: {  	v2 =	vld.idx.msk [tilespmem:v2+s5+$0x0], $0xffff  }
0xb8: {  	v1 =	vld.idx.msk [tilespmem:v1+s5+$0x0], $0xffff;
	_ =	sdelay $0x1  }
0xb9: {  	s2 =	sor.u32 $0x380, s2;
	[tilespmem:s7+$0x1000] =	vst v5  }
0xba: {  	v5 =	vld [tilespmem:s2+$0x1000];
	[tilespmem:s31+$0x1000] =	vst v3  }
0xbb: {  	s19 =	sor.u32 $0x380, s11;
	[tilespmem:s13+$0x1000] =	vst v2;
	v3 =	vld [tilespmem:s3+$0x1000]  }
0xbc: {  	s0 =	sor.u32 $0x380, s0;
	[tilespmem:s12+$0x1000] =	vst v1;
	v2 =	vld [tilespmem:s19+$0x1000]  }
0xbd: {  	v1 =	vld [tilespmem:s0+$0x1000];
	_ =	sdelay $0x3  }
0xbe: {  	v0 =	vld.idx.msk [tilespmem:v0+s5+$0x0], $0xffff  }
0xbf: {  	v5 =	vld.idx.msk [tilespmem:v5+s5+$0x0], $0xffff  }
0xc0: {  	v3 =	vld.idx.msk [tilespmem:v3+s5+$0x0], $0xffff  }
0xc1: {  	v2 =	vld.idx.msk [tilespmem:v2+s5+$0x0], $0xffff  }
0xc2: {  	[tilespmem:s24+$0x1000] =	vst v4;
	v1 =	vld.idx.msk [tilespmem:v1+s5+$0x0], $0xffff  }
0xc3: {  	s24 =	smul.u32 $0x18, s20;
	[tilespmem:s29+$0x1000] =	vst v0  }
0xc4: {  	[tilespmem:s2+$0x1000] =	vst v5  }
0xc5: {  	s2 =	sadd.s32 s6, s24;
	[tilespmem:s3+$0x1000] =	vst v3  }
0xc6: {  	s2 =	sshll.u32 s2, $0x9;
	[tilespmem:s19+$0x1000] =	vst v2  }
0xc7: {  	s26 =	simm.s32 $0x1000;
	s25 =	sadd.s32 s4, s2;
	[tilespmem:s0+$0x1000] =	vst v1;
	s0 =	simm.s32 @!p0 $0x3  }
0xc8: {  	[hbm4b:s25+s5] =	stream.linear.scatter [tilespmem:s26], [sflag:$0x1], $0x8000, $0x38;
	[tilespmem:$0x19000] =	vst v63  }
0xc9: {  	s3 =	sadd.s32 s22, s9;
	_ =	swait.ge @!p0 [sflag:s0], $0x8000  }
0xca: {  	s21 =	sshll.u32 s3, $0xC;
	[sflag:s0] =	ssyncset.done @!p0 $0x0  }
0xcb: {  	s11 =	simm.s32 $0x0;
	s7 =	sadd.s32 s1, s21;
	[sflag:s0] =	ssyncadd.s32 @!p0 $0xFFFF8000  }
0xcc: {  	[tilespmem:s16], [sflag:$0x3] =	stream.linear.gather [hbm4b:s7+s11], $0x8000, $0x38;
	[tilespmem:$0x19000] =	vst v63  }
0xcd: {  	s12 =	simm.s32 $0x0;
	_ =	swait.ge [sflag:s17], $0x8000  }
0xce: {  	s13 =	sand.u32 $0x7C00, s11;
	s0 =	sand.u32 $0x60, s12;
	[sflag:s17] =	ssyncset.done $0x0  }
0xcf: {  	s2 =	sor.u32 s0, s13;
	[sflag:s17] =	ssyncadd.s32 $0xFFFF8000  }
0xd0: {  	v0 =	vld [tilespmem:s2+$0x9010];
	_ =	sdelay $0x5  }
0xd1: {  	v1 =	vld [tilespmem:s2+$0x9090]  }
0xd2: {  	v2 =	vld [tilespmem:s2+$0x9000]  }
0xd3: {  	v0 =	vld.idx.msk [tilespmem:v0+s5+$0x0], $0xffff;
	_ =	sdelay $0x3  }
0xd4: {  	v3 =	vld [tilespmem:s2+$0x9110]  }
0xd5: {  	v4 =	vld [tilespmem:s2+$0x9080];
	[tilespmem:s2+$0x9010] =	vst v0  }
0xd6: {  	v0 =	vld.idx.msk [tilespmem:v1+s5+$0x0], $0xffff  }
0xd7: {  	v1 =	vld.idx.msk [tilespmem:v2+s5+$0x0], $0xffff;
	_ =	sdelay $0x1  }
0xd8: {  	v5 =	vld [tilespmem:s2+$0x9100]  }
0xd9: {  	v2 =	vld [tilespmem:s2+$0x9190]  }
0xda: {  	v6 =	vld [tilespmem:s2+$0x9200];
	[tilespmem:s2+$0x9090] =	vst v0  }
0xdb: {  	s24 =	simm.s32 $0x100;
	s19 =	simm.s32 $0x20;
	[tilespmem:s2+$0x9000] =	vst v1;
	v0 =	vld.idx.msk [tilespmem:v3+s5+$0x0], $0xffff  }
0xdc: {  	s0 =	sand.u32 $0x60, s19;
	s7 =	sand.u32 $0x7C00, s24;
	v1 =	vld.idx.msk [tilespmem:v4+s5+$0x0], $0xffff  }
0xdd: {  	s0 =	sor.u32 s0, s7;
	v7 =	vld [tilespmem:s2+$0x9290]  }
0xde: {  	v8 =	vld [tilespmem:s0+$0x9000]  }
0xdf: {  	v4 =	vld [tilespmem:s2+$0x9210]  }
0xe0: {  	v3 =	vld [tilespmem:s2+$0x9180];
	[tilespmem:s2+$0x9110] =	vst v0  }
0xe1: {  	[tilespmem:s2+$0x9080] =	vst v1;
	v0 =	vld.idx.msk [tilespmem:v2+s5+$0x0], $0xffff  }
0xe2: {  	v1 =	vld.idx.msk [tilespmem:v5+s5+$0x0], $0xffff  }
0xe3: {  	s25 =	simm.s32 $0x40;
	s12 =	simm.s32 $0x200;
	v2 =	vld [tilespmem:s0+$0x9010]  }
0xe4: {  	s19 =	sand.u32 $0x60, s25;
	s24 =	sand.u32 $0x7C00, s12;
	v9 =	vld [tilespmem:s0+$0x9100]  }
0xe5: {  	s24 =	sor.u32 s19, s24;
	v10 =	vld [tilespmem:s0+$0x9180]  }
0xe6: {  	v11 =	vld [tilespmem:s24+$0x9100];
	[tilespmem:s2+$0x9190] =	vst v0  }
0xe7: {  	[tilespmem:s2+$0x9100] =	vst v1;
	v0 =	vld.idx.msk [tilespmem:v4+s5+$0x0], $0xffff  }
0xe8: {  	v1 =	vld.idx.msk [tilespmem:v3+s5+$0x0], $0xffff  }
0xe9: {  	v3 =	vld [tilespmem:s0+$0x9090]  }
0xea: {  	v5 =	vld [tilespmem:s2+$0x9280]  }
0xeb: {  	v2 =	vld.idx.msk [tilespmem:v2+s5+$0x0], $0xffff  }
0xec: {  	v4 =	vld [tilespmem:s0+$0x9080];
	[tilespmem:s2+$0x9210] =	vst v0  }
0xed: {  	v0 =	vld.idx.msk [tilespmem:v7+s5+$0x0], $0xffff  }
0xee: {  	s3 =	sand.u32 $0x3, s11;
	v7 =	vld.idx.msk [tilespmem:v8+s5+$0x0], $0xffff  }
0xef: {  	s3 =	sshll.u32 s3, $0x5;
	[tilespmem:s2+$0x9180] =	vst v1;
	v8 =	vld [tilespmem:s0+$0x9110]  }
0xf0: {  	s3 =	sadd.s32 $0x0, s3;
	[tilespmem:s0+$0x9010] =	vst v2;
	v2 =	vld.idx.msk [tilespmem:v6+s5+$0x0], $0xffff  }
0xf1: {  	s7 =	sadd.s32 $0x10, s3;
	v1 =	vld.idx.msk [tilespmem:v3+s5+$0x0], $0xffff  }
0xf2: {  	s11 =	sor.u32 $0x300, s7;
	v6 =	vld [tilespmem:s0+$0x9200];
	[tilespmem:s2+$0x9290] =	vst v0  }
0xf3: {  	[tilespmem:s0+$0x9000] =	vst v7;
	v0 =	vld [tilespmem:s11+$0x9000]  }
0xf4: {  	v3 =	vld.idx.msk [tilespmem:v4+s5+$0x0], $0xffff  }
0xf5: {  	v4 =	vld [tilespmem:s0+$0x9190];
	[tilespmem:s2+$0x9200] =	vst v2  }
0xf6: {  	[tilespmem:s0+$0x9090] =	vst v1;
	v2 =	vld.idx.msk [tilespmem:v5+s5+$0x0], $0xffff  }
0xf7: {  	v1 =	vld.idx.msk [tilespmem:v8+s5+$0x0], $0xffff  }
0xf8: {  	v8 =	vld [tilespmem:s24+$0x9000]  }
0xf9: {  	v5 =	vld [tilespmem:s0+$0x9280];
	[tilespmem:s0+$0x9080] =	vst v3  }
0xfa: {  	v3 =	vld.idx.msk [tilespmem:v9+s5+$0x0], $0xffff  }
0xfb: {  	[tilespmem:s2+$0x9280] =	vst v2;
	v9 =	vld [tilespmem:s24+$0x9080]  }
0xfc: {  	s26 =	sor.u32 $0x300, s3;
	[tilespmem:s0+$0x9110] =	vst v1;
	v1 =	vld [tilespmem:s0+$0x9210]  }
0xfd: {  	v2 =	vld [tilespmem:s26+$0x9000]  }
0xfe: {  	v0 =	vld.idx.msk [tilespmem:v0+s5+$0x0], $0xffff  }
0xff: {  	v4 =	vld.idx.msk [tilespmem:v4+s5+$0x0], $0xffff  }
0x100: {  	v8 =	vld.idx.msk [tilespmem:v8+s5+$0x0], $0xffff  }
0x101: {  	[tilespmem:s0+$0x9100] =	vst v3;
	v3 =	vld [tilespmem:s24+$0x9010]  }
0x102: {  	v7 =	vld.idx.msk [tilespmem:v10+s5+$0x0], $0xffff  }
0x103: {  	v10 =	vld [tilespmem:s24+$0x9090];
	[tilespmem:s11+$0x9000] =	vst v0  }
0x104: {  	s2 =	sor.u32 $0x380, s7;
	[tilespmem:s0+$0x9190] =	vst v4;
	v4 =	vld [tilespmem:s0+$0x9290]  }
0x105: {  	v0 =	vld [tilespmem:s2+$0x9000]  }
0x106: {  	v1 =	vld.idx.msk [tilespmem:v1+s5+$0x0], $0xffff  }
0x107: {  	[tilespmem:s24+$0x9000] =	vst v8;
	v2 =	vld.idx.msk [tilespmem:v2+s5+$0x0], $0xffff  }
0x108: {  	v8 =	vld.idx.msk [tilespmem:v9+s5+$0x0], $0xffff  }
0x109: {  	v9 =	vld [tilespmem:s24+$0x9190]  }
0x10a: {  	v3 =	vld.idx.msk [tilespmem:v3+s5+$0x0], $0xffff  }
0x10b: {  	[tilespmem:s0+$0x9180] =	vst v7;
	v7 =	vld [tilespmem:s24+$0x9200]  }
0x10c: {  	v6 =	vld.idx.msk [tilespmem:v6+s5+$0x0], $0xffff;
	[tilespmem:s0+$0x9210] =	vst v1  }
0x10d: {  	[tilespmem:s26+$0x9000] =	vst v2;
	v2 =	vld [tilespmem:s24+$0x9210]  }
0x10e: {  	v1 =	vld.idx.msk [tilespmem:v4+s5+$0x0], $0xffff  }
0x10f: {  	[tilespmem:s24+$0x9010] =	vst v3;
	v3 =	vld [tilespmem:s24+$0x9110]  }
0x110: {  	s28 =	simm.s32 $0x60;
	s25 =	simm.s32 $0x1;
	v4 =	vld [tilespmem:s24+$0x9180]  }
0x111: {  	s29 =	simm.s32 $0x300;
	s7 =	sand.u32 $0x3, s25;
	s25 =	sor.u32 $0x380, s3;
	v10 =	vld.idx.msk [tilespmem:v10+s5+$0x0], $0xffff  }
0x112: {  	s12 =	sand.u32 $0x7C00, s29;
	s3 =	sand.u32 $0x60, s28;
	s7 =	sshll.u32 s7, $0x5;
	[tilespmem:s24+$0x9080] =	vst v8;
	v8 =	vld [tilespmem:s25+$0x9000]  }
0x113: {  	s7 =	sadd.s32 $0x100, s7;
	s26 =	sor.u32 s3, s12;
	[tilespmem:s0+$0x9200] =	vst v6;
	v6 =	vld.idx.msk [tilespmem:v11+s5+$0x0], $0xffff  }
0x114: {  	s11 =	sadd.s32 $0x10, s7;
	v12 =	vld [tilespmem:s26+$0x9100]  }
0x115: {  	s13 =	sor.u32 $0x300, s11;
	v5 =	vld.idx.msk [tilespmem:v5+s5+$0x0], $0xffff;
	[tilespmem:s0+$0x9290] =	vst v1  }
0x116: {  	v1 =	vld [tilespmem:s13+$0x9000];
	[tilespmem:s24+$0x9090] =	vst v10  }
0x117: {  	v3 =	vld.idx.msk [tilespmem:v3+s5+$0x0], $0xffff  }
0x118: {  	[tilespmem:s24+$0x9100] =	vst v6;
	v6 =	vld [tilespmem:s26+$0x9010]  }
0x119: {  	v13 =	vld [tilespmem:s26+$0x9090]  }
0x11a: {  	v0 =	vld.idx.msk [tilespmem:v0+s5+$0x0], $0xffff  }
0x11b: {  	s19 =	sor.u32 $0x300, s7;
	v11 =	vld [tilespmem:s26+$0x9080];
	[tilespmem:s0+$0x9280] =	vst v5  }
0x11c: {  	v5 =	vld [tilespmem:s19+$0x9000];
	[tilespmem:s24+$0x9110] =	vst v3  }
0x11d: {  	v3 =	vld.idx.msk [tilespmem:v9+s5+$0x0], $0xffff  }
0x11e: {  	v4 =	vld.idx.msk [tilespmem:v4+s5+$0x0], $0xffff  }
0x11f: {  	v1 =	vld.idx.msk [tilespmem:v1+s5+$0x0], $0xffff  }
0x120: {  	v6 =	vld.idx.msk [tilespmem:v6+s5+$0x0], $0xffff  }
0x121: {  	v9 =	vld [tilespmem:s26+$0x9000]  }
0x122: {  	[tilespmem:s24+$0x9190] =	vst v3;
	v3 =	vld [tilespmem:s24+$0x9290]  }
0x123: {  	v10 =	vld [tilespmem:s24+$0x9280]  }
0x124: {  	v2 =	vld.idx.msk [tilespmem:v2+s5+$0x0], $0xffff  }
0x125: {  	v15 =	vld.idx.msk [tilespmem:v5+s5+$0x0], $0xffff;
	[tilespmem:s13+$0x9000] =	vst v1;
	s13 =	sor.u32 $0x380, s11  }
0x126: {  	v1 =	vld [tilespmem:s13+$0x9000];
	[tilespmem:s26+$0x9010] =	vst v6  }
0x127: {  	[tilespmem:s24+$0x9180] =	vst v4;
	v4 =	vld.idx.msk [tilespmem:v13+s5+$0x0], $0xffff  }
0x128: {  	v6 =	vld [tilespmem:s26+$0x9110]  }
0x129: {  	v9 =	vld.idx.msk [tilespmem:v9+s5+$0x0], $0xffff;
	[tilespmem:s24+$0x9210] =	vst v2  }
0x12a: {  	s31 =	simm.s32 $0x2;
	s30 =	sor.u32 $0x380, s7;
	[tilespmem:s19+$0x9000] =	vst v15;
	v2 =	vld.idx.msk [tilespmem:v3+s5+$0x0], $0xffff  }
0x12b: {  	[tilespmem:s2+$0x9000] =	vst v0;
	s11 =	sand.u32 $0x3, s31;
	v0 =	vld [tilespmem:s30+$0x9000]  }
0x12c: {  	s3 =	sshll.u32 s11, $0x5;
	[tilespmem:s26+$0x9090] =	vst v4;
	v4 =	vld.idx.msk [tilespmem:v8+s5+$0x0], $0xffff  }
0x12d: {  	s12 =	sadd.s32 $0x200, s3;
	v8 =	vld [tilespmem:s26+$0x9210]  }
0x12e: {  	s3 =	sadd.s32 $0x10, s12;
	[tilespmem:s26+$0x9000] =	vst v9;
	v9 =	vld.idx.msk [tilespmem:v7+s5+$0x0], $0xffff  }
0x12f: {  	s11 =	sor.u32 $0x300, s3;
	v11 =	vld.idx.msk [tilespmem:v11+s5+$0x0], $0xffff;
	[tilespmem:s24+$0x9290] =	vst v2  }
0x130: {  	v63 =	vld [tilespmem:s11+$0x9000]  }
0x131: {  	v14 =	vld.idx.msk [tilespmem:v1+s5+$0x0], $0xffff  }
0x132: {  	v7 =	vld [tilespmem:s26+$0x9190]  }
0x133: {  	v16 =	vld.idx.msk [tilespmem:v6+s5+$0x0], $0xffff  }
0x134: {  	v3 =	vld [tilespmem:s26+$0x9180];
	[tilespmem:s24+$0x9200] =	vst v9  }
0x135: {  	[tilespmem:s26+$0x9080] =	vst v11;
	v6 =	vld.idx.msk [tilespmem:v10+s5+$0x0], $0xffff  }
0x136: {  	v9 =	vld.idx.msk [tilespmem:v12+s5+$0x0], $0xffff  }
0x137: {  	v1 =	vld [tilespmem:s26+$0x9200]  }
0x138: {  	[tilespmem:s26+$0x9110] =	vst v16;
	v5 =	vld.idx.msk [tilespmem:v63+s5+$0x0], $0xffff  }
0x139: {  	s0 =	simm.s32 $0x300;
	s2 =	sor.u32 $0x300, s12;
	s7 =	sor.u32 $0x380, s12;
	[tilespmem:s13+$0x9000] =	vst v14;
	v2 =	vld [tilespmem:s26+$0x9280]  }
.LBB2_5:
0x13a: {  	s28 =	sadd.s32 $0x20, s28;
	v7 =	vld.idx.msk [tilespmem:v7+s5+$0x0], $0xffff;
	s29 =	sadd.s32 $0x100, s29;
	[tilespmem:s24+$0x9280] =	vst v6;
	s24 =	smov.u32 s26  }
0x13b: {  	s13 =	sand.u32 $0x60, s28;
	s19 =	sand.u32 $0x7C00, s29;
	p0 =	slt.u32 s28, $0xFE0;
	[tilespmem:s24+$0x9100] =	vst v9;
	v6 =	vld [tilespmem:s2+$0x9000]  }
0x13c: {  	s26 =	sor.u32 s13, s19;
	v3 =	vld.idx.msk [tilespmem:v3+s5+$0x0], $0xffff;
	[tilespmem:s25+$0x9000] =	vst v4;
	s25 =	smov.u32 s30;
	s30 =	smov.u32 s7  }
0x13d: {  	s3 =	sor.u32 $0x380, s3;
	v4 =	vld [tilespmem:s26+$0x9010];
	[tilespmem:s11+$0x9000] =	vst v5  }
0x13e: {  	v5 =	vld [tilespmem:s3+$0x9000]  }
0x13f: {  	v9 =	vld [tilespmem:s26+$0x9000]  }
0x140: {  	[tilespmem:s24+$0x9190] =	vst v7;
	v7 =	vld [tilespmem:s24+$0x9290]  }
0x141: {  	v8 =	vld.idx.msk [tilespmem:v8+s5+$0x0], $0xffff  }
0x142: {  	v10 =	vld [tilespmem:s26+$0x9080];
	[tilespmem:s24+$0x9180] =	vst v3  }
0x143: {  	v11 =	vld [tilespmem:s26+$0x9100]  }
0x144: {  	v12 =	vld [tilespmem:s26+$0x9090]  }
0x145: {  	v4 =	vld.idx.msk [tilespmem:v4+s5+$0x0], $0xffff  }
0x146: {  	v5 =	vld.idx.msk [tilespmem:v5+s5+$0x0], $0xffff  }
0x147: {  	v9 =	vld.idx.msk [tilespmem:v9+s5+$0x0], $0xffff;
	[tilespmem:s24+$0x9210] =	vst v8  }
0x148: {  	v7 =	vld.idx.msk [tilespmem:v7+s5+$0x0], $0xffff  }
0x149: {  	s31 =	sadd.s32 $0x1, s31;
	v3 =	vld [tilespmem:s26+$0x9180]  }
0x14a: {  	s7 =	sand.u32 $0x3, s31;
	v8 =	vld [tilespmem:s26+$0x9200]  }
0x14b: {  	s7 =	sshll.u32 s7, $0x5;
	[tilespmem:s26+$0x9010] =	vst v4;
	v4 =	vld [tilespmem:s26+$0x9110]  }
0x14c: {  	s11 =	sadd.s32 s7, s0;
	s0 =	smov.u32 s29;
	v12 =	vld.idx.msk [tilespmem:v12+s5+$0x0], $0xffff;
	[tilespmem:s3+$0x9000] =	vst v5  }
0x14d: {  	s13 =	sor.u32 $0x300, s11;
	s7 =	sor.u32 $0x380, s11;
	s3 =	sadd.s32 $0x10, s11;
	[tilespmem:s26+$0x9000] =	vst v9;
	v5 =	vld.idx.msk [tilespmem:v1+s5+$0x0], $0xffff  }
0x14e: {  	s11 =	sor.u32 $0x300, s3;
	v9 =	vld.idx.msk [tilespmem:v10+s5+$0x0], $0xffff;
	[tilespmem:s24+$0x9290] =	vst v7  }
0x14f: {  	v10 =	vld [tilespmem:s11+$0x9000];
	v1 =	vmov v8  }
0x150: {  	v8 =	vld [tilespmem:s26+$0x9280]  }
0x151: {  	v13 =	vld.idx.msk [tilespmem:v6+s5+$0x0], $0xffff  }
0x152: {  	[tilespmem:s26+$0x9090] =	vst v12;
	v7 =	vld [tilespmem:s26+$0x9190]  }
0x153: {  	v12 =	vld.idx.msk [tilespmem:v4+s5+$0x0], $0xffff;
	[tilespmem:s24+$0x9200] =	vst v5  }
0x154: {  	[tilespmem:s26+$0x9080] =	vst v9;
	v6 =	vld.idx.msk [tilespmem:v2+s5+$0x0], $0xffff  }
.Ltmp1:
0x155: {  	v9 =	vld.idx.msk [tilespmem:v11+s5+$0x0], $0xffff;
	v2 =	vmov v8;
	(pc) =	sbr.rel @p0 .LBB2_5-.Ltmp1, $4  }
0x156: {  	v4 =	vld.idx.msk [tilespmem:v0+s5+$0x0], $0xffff  }
0x157: {  	v5 =	vld.idx.msk [tilespmem:v10+s5+$0x0], $0xffff;
	[tilespmem:s2+$0x9000] =	vst v13;
	s2 =	smov.u32 s13  }
0x158: {  	v0 =	vld [tilespmem:s30+$0x9000]  }
0x159: {  	[tilespmem:s26+$0x9110] =	vst v12;
	v8 =	vld [tilespmem:s26+$0x9210]  }
0x15a: {  	_ =	sdelay $0x3  }
0x15b: {  	v7 =	vld.idx.msk [tilespmem:v7+s5+$0x0], $0xffff  }
0x15c: {  	[tilespmem:s26+$0x9100] =	vst v9  }
0x15d: {  	v3 =	vld.idx.msk [tilespmem:v3+s5+$0x0], $0xffff;
	_ =	sdelay $0x2  }
0x15e: {  	[tilespmem:s26+$0x9190] =	vst v7;
	v7 =	vld [tilespmem:s26+$0x9290];
	_ =	sdelay $0x1  }
0x15f: {  	v8 =	vld.idx.msk [tilespmem:v8+s5+$0x0], $0xffff;
	[tilespmem:s26+$0x9180] =	vst v3  }
0x160: {  	v1 =	vld.idx.msk [tilespmem:v1+s5+$0x0], $0xffff;
	_ =	sdelay $0x3  }
0x161: {  	[tilespmem:s26+$0x9210] =	vst v8  }
0x162: {  	s13 =	sadd.s32 $0x1, s31;
	[tilespmem:s26+$0x9200] =	vst v1;
	v3 =	vld.idx.msk [tilespmem:v7+s5+$0x0], $0xffff  }
0x163: {  	s13 =	sand.u32 $0x3, s13;
	v1 =	vld.idx.msk [tilespmem:v2+s5+$0x0], $0xffff  }
0x164: {  	s13 =	sshll.u32 s13, $0x5  }
0x165: {  	s0 =	sadd.s32 s13, s0  }
0x166: {  	[tilespmem:s24+$0x9280] =	vst v6;
	s13 =	sadd.s32 $0x10, s0  }
0x167: {  	s19 =	sor.u32 $0x300, s13;
	[tilespmem:s26+$0x9290] =	vst v3;
	v3 =	vld [tilespmem:s2+$0x9000]  }
0x168: {  	s12 =	sor.u32 $0x300, s0;
	[tilespmem:s26+$0x9280] =	vst v1;
	v2 =	vld [tilespmem:s19+$0x9000]  }
0x169: {  	v1 =	vld [tilespmem:s12+$0x9000];
	_ =	sdelay $0x5  }
0x16a: {  	v3 =	vld.idx.msk [tilespmem:v3+s5+$0x0], $0xffff  }
0x16b: {  	v2 =	vld.idx.msk [tilespmem:v2+s5+$0x0], $0xffff  }
0x16c: {  	v1 =	vld.idx.msk [tilespmem:v1+s5+$0x0], $0xffff;
	_ =	sdelay $0x1  }
0x16d: {  	s3 =	sor.u32 $0x380, s3;
	[tilespmem:s11+$0x9000] =	vst v5  }
0x16e: {  	v5 =	vld [tilespmem:s3+$0x9000];
	[tilespmem:s2+$0x9000] =	vst v3  }
0x16f: {  	[tilespmem:s19+$0x9000] =	vst v2;
	s19 =	sor.u32 $0x380, s13;
	v3 =	vld [tilespmem:s7+$0x9000]  }
0x170: {  	s0 =	sor.u32 $0x380, s0;
	[tilespmem:s12+$0x9000] =	vst v1;
	v2 =	vld [tilespmem:s19+$0x9000]  }
0x171: {  	v1 =	vld [tilespmem:s0+$0x9000];
	_ =	sdelay $0x3  }
0x172: {  	v0 =	vld.idx.msk [tilespmem:v0+s5+$0x0], $0xffff  }
0x173: {  	v5 =	vld.idx.msk [tilespmem:v5+s5+$0x0], $0xffff  }
0x174: {  	v3 =	vld.idx.msk [tilespmem:v3+s5+$0x0], $0xffff  }
0x175: {  	v2 =	vld.idx.msk [tilespmem:v2+s5+$0x0], $0xffff  }
0x176: {  	[tilespmem:s25+$0x9000] =	vst v4;
	v1 =	vld.idx.msk [tilespmem:v1+s5+$0x0], $0xffff  }
0x177: {  	[tilespmem:s30+$0x9000] =	vst v0  }
0x178: {  	[tilespmem:s3+$0x9000] =	vst v5  }
0x179: {  	[tilespmem:s7+$0x9000] =	vst v3  }
0x17a: {  	[tilespmem:s19+$0x9000] =	vst v2  }
0x17b: {  	s23 =	sadd.s32 s4, s23;
	p0 =	seq.s32 s20, $0x3;
	s24 =	simm.s32 $0x0;
	[tilespmem:s0+$0x9000] =	vst v1  }
0x17c: {  	[hbm4b:s23+s5] =	stream.linear.scatter [tilespmem:s14], [sflag:$0x2], $0x8000, $0x38;
	[tilespmem:$0x19000] =	vst v63  }
0x17d: {  	s25 =	simm.s32 $0x0;
	s0 =	sadd.s32 @!p0 s22, s10;
	_ =	swait.ge [sflag:s15], $0x8000  }
0x17e: {  	s3 =	simm.s32 @!p0 $0x1000;
	s0 =	sshll.u32 @!p0 s0, $0xC;
	[sflag:s15] =	ssyncset.done $0x0  }
0x17f: {  	s2 =	simm.s32 @!p0 $0x0;
	s0 =	sadd.s32 @!p0 s1, s0;
	[sflag:s15] =	ssyncadd.s32 $0xFFFF8000  }
0x180: {  	[tilespmem:s3], [sflag:$0x1] =	stream.linear.gather @!p0 [hbm4b:s0+s2], $0x8000, $0x38;
	[tilespmem:$0x19000] =	vst v63  }
0x181: {  	s26 =	sand.u32 $0x7C00, s24;
	s2 =	sand.u32 $0x60, s25;
	_ =	swait.ge [sflag:s18], $0x8000  }
0x182: {  	s2 =	sor.u32 s2, s26;
	[sflag:s18] =	ssyncset.done $0x0  }
0x183: {  	s3 =	sadd.s32 $0x11000, s2;
	[sflag:s18] =	ssyncadd.s32 $0xFFFF8000  }
0x184: {  	v0 =	vld [tilespmem:s3+$0x10];
	_ =	sdelay $0x3  }
0x185: {  	v2 =	vld [tilespmem:s2+$0x11000];
	_ =	sdelay $0x1  }
0x186: {  	v1 =	vld [tilespmem:s3+$0x90];
	_ =	sdelay $0x1  }
0x187: {  	v0 =	vld.idx.msk [tilespmem:v0+s5+$0x0], $0xffff;
	_ =	sdelay $0x1  }
0x188: {  	v4 =	vld [tilespmem:s3+$0x80]  }
0x189: {  	v3 =	vld [tilespmem:s3+$0x110]  }
0x18a: {  	v2 =	vld.idx.msk [tilespmem:v2+s5+$0x0], $0xffff  }
0x18b: {  	v5 =	vld [tilespmem:s3+$0x180];
	[tilespmem:s3+$0x10] =	vst v0  }
0x18c: {  	v0 =	vld.idx.msk [tilespmem:v1+s5+$0x0], $0xffff  }
0x18d: {  	v6 =	vld [tilespmem:s3+$0x190]  }
0x18e: {  	v7 =	vld [tilespmem:s3+$0x200]  }
0x18f: {  	v1 =	vld [tilespmem:s3+$0x100];
	[tilespmem:s2+$0x11000] =	vst v2  }
0x190: {  	v2 =	vld.idx.msk [tilespmem:v4+s5+$0x0], $0xffff  }
0x191: {  	s11 =	simm.s32 $0x100;
	s7 =	simm.s32 $0x20;
	[tilespmem:s3+$0x90] =	vst v0  }
0x192: {  	s2 =	sand.u32 $0x60, s7;
	s7 =	sand.u32 $0x7C00, s11;
	v0 =	vld.idx.msk [tilespmem:v3+s5+$0x0], $0xffff  }
0x193: {  	s7 =	sor.u32 s2, s7  }
0x194: {  	s2 =	sadd.s32 $0x11000, s7  }
0x195: {  	[tilespmem:s3+$0x80] =	vst v2;
	v2 =	vld [tilespmem:s2+$0x10]  }
0x196: {  	v3 =	vld [tilespmem:s3+$0x210]  }
0x197: {  	v4 =	vld [tilespmem:s3+$0x290];
	[tilespmem:s3+$0x110] =	vst v0  }
0x198: {  	v0 =	vld.idx.msk [tilespmem:v6+s5+$0x0], $0xffff  }
0x199: {  	v6 =	vld [tilespmem:s7+$0x11000]  }
0x19a: {  	v8 =	vld [tilespmem:s2+$0x100]  }
0x19b: {  	v9 =	vld [tilespmem:s2+$0x90]  }
0x19c: {  	v1 =	vld.idx.msk [tilespmem:v1+s5+$0x0], $0xffff  }
0x19d: {  	v2 =	vld.idx.msk [tilespmem:v2+s5+$0x0], $0xffff;
	[tilespmem:s3+$0x190] =	vst v0  }
0x19e: {  	v0 =	vld.idx.msk [tilespmem:v3+s5+$0x0], $0xffff  }
0x19f: {  	v10 =	vld [tilespmem:s2+$0x180]  }
0x1a0: {  	v3 =	vld [tilespmem:s2+$0x80]  }
0x1a1: {  	[tilespmem:s3+$0x100] =	vst v1;
	v1 =	vld.idx.msk [tilespmem:v6+s5+$0x0], $0xffff  }
0x1a2: {  	[tilespmem:s2+$0x10] =	vst v2;
	v6 =	vld [tilespmem:s2+$0x200]  }
0x1a3: {  	v2 =	vld.idx.msk [tilespmem:v9+s5+$0x0], $0xffff;
	[tilespmem:s3+$0x210] =	vst v0  }
0x1a4: {  	v0 =	vld.idx.msk [tilespmem:v4+s5+$0x0], $0xffff  }
0x1a5: {  	s0 =	sand.u32 $0x3, s24;
	v4 =	vld.idx.msk [tilespmem:v5+s5+$0x0], $0xffff  }
0x1a6: {  	s0 =	sshll.u32 s0, $0x5;
	v5 =	vld [tilespmem:s2+$0x110]  }
0x1a7: {  	s23 =	sadd.s32 $0x0, s0;
	v9 =	vld [tilespmem:s2+$0x290];
	[tilespmem:s7+$0x11000] =	vst v1  }
0x1a8: {  	s0 =	sadd.s32 $0x10, s23;
	v1 =	vld.idx.msk [tilespmem:v3+s5+$0x0], $0xffff  }
0x1a9: {  	s13 =	simm.s32 $0x40;
	s19 =	simm.s32 $0x200;
	s12 =	sor.u32 $0x300, s0;
	v3 =	vld [tilespmem:s3+$0x280];
	[tilespmem:s3+$0x290] =	vst v0  }
0x1aa: {  	s7 =	sand.u32 $0x60, s13;
	s13 =	sand.u32 $0x7C00, s19;
	[tilespmem:s3+$0x180] =	vst v4;
	v0 =	vld [tilespmem:s12+$0x11000]  }
0x1ab: {  	s7 =	sor.u32 s7, s13;
	v7 =	vld.idx.msk [tilespmem:v7+s5+$0x0], $0xffff  }
0x1ac: {  	s25 =	sadd.s32 $0x11000, s7;
	v4 =	vld [tilespmem:s2+$0x190]  }
0x1ad: {  	[tilespmem:s2+$0x90] =	vst v2;
	v11 =	vld [tilespmem:s25+$0x80]  }
0x1ae: {  	[tilespmem:s2+$0x80] =	vst v1;
	v2 =	vld.idx.msk [tilespmem:v5+s5+$0x0], $0xffff  }
0x1af: {  	v1 =	vld.idx.msk [tilespmem:v8+s5+$0x0], $0xffff  }
0x1b0: {  	[tilespmem:s3+$0x200] =	vst v7;
	v7 =	vld [tilespmem:s2+$0x210]  }
0x1b1: {  	v8 =	vld.idx.msk [tilespmem:v3+s5+$0x0], $0xffff  }
0x1b2: {  	v3 =	vld [tilespmem:s25+$0x10]  }
0x1b3: {  	[tilespmem:s2+$0x110] =	vst v2;
	v0 =	vld.idx.msk [tilespmem:v0+s5+$0x0], $0xffff  }
0x1b4: {  	v2 =	vld.idx.msk [tilespmem:v4+s5+$0x0], $0xffff  }
0x1b5: {  	v12 =	vld [tilespmem:s25+$0x180]  }
0x1b6: {  	v4 =	vld [tilespmem:s7+$0x11000]  }
0x1b7: {  	v13 =	vld [tilespmem:s25+$0x90]  }
0x1b8: {  	s29 =	sor.u32 $0x380, s0;
	v5 =	vld [tilespmem:s2+$0x280];
	[tilespmem:s12+$0x11000] =	vst v0  }
0x1b9: {  	[tilespmem:s2+$0x190] =	vst v2;
	v0 =	vld [tilespmem:s29+$0x11000]  }
0x1ba: {  	v2 =	vld.idx.msk [tilespmem:v7+s5+$0x0], $0xffff  }
0x1bb: {  	s11 =	sor.u32 $0x300, s23;
	[tilespmem:s3+$0x280] =	vst v8;
	v14 =	vld.idx.msk [tilespmem:v3+s5+$0x0], $0xffff  }
0x1bc: {  	v8 =	vld [tilespmem:s11+$0x11000]  }
0x1bd: {  	v7 =	vld [tilespmem:s25+$0x100]  }
0x1be: {  	[tilespmem:s2+$0x100] =	vst v1;
	v1 =	vld.idx.msk [tilespmem:v4+s5+$0x0], $0xffff  }
0x1bf: {  	v4 =	vld [tilespmem:s25+$0x110];
	[tilespmem:s2+$0x210] =	vst v2  }
0x1c0: {  	v2 =	vld.idx.msk [tilespmem:v10+s5+$0x0], $0xffff;
	[tilespmem:s25+$0x10] =	vst v14  }
0x1c1: {  	v10 =	vld.idx.msk [tilespmem:v13+s5+$0x0], $0xffff  }
0x1c2: {  	v3 =	vld.idx.msk [tilespmem:v0+s5+$0x0], $0xffff  }
0x1c3: {  	v0 =	vld.idx.msk [tilespmem:v9+s5+$0x0], $0xffff  }
0x1c4: {  	v9 =	vld [tilespmem:s25+$0x200];
	[tilespmem:s7+$0x11000] =	vst v1  }
0x1c5: {  	v1 =	vld.idx.msk [tilespmem:v11+s5+$0x0], $0xffff  }
0x1c6: {  	s22 =	simm.s32 $0x1;
	s24 =	simm.s32 $0x60;
	s26 =	simm.s32 $0x300;
	v11 =	vld [tilespmem:s25+$0x290];
	[tilespmem:s2+$0x180] =	vst v2  }
0x1c7: {  	s0 =	sand.u32 $0x3, s22;
	s3 =	sand.u32 $0x60, s24;
	s7 =	sand.u32 $0x7C00, s26;
	v2 =	vld.idx.msk [tilespmem:v6+s5+$0x0], $0xffff  }
0x1c8: {  	s0 =	sshll.u32 s0, $0x5;
	s12 =	sor.u32 s3, s7;
	v6 =	vld [tilespmem:s25+$0x190]  }
0x1c9: {  	s0 =	sadd.s32 $0x100, s0;
	s22 =	sadd.s32 $0x11000, s12;
	[tilespmem:s25+$0x90] =	vst v10;
	v10 =	vld [tilespmem:s25+$0x280]  }
0x1ca: {  	s13 =	sadd.s32 $0x10, s0;
	v56 =	vld [tilespmem:s22+$0x80]  }
0x1cb: {  	s19 =	sor.u32 $0x300, s13;
	v4 =	vld.idx.msk [tilespmem:v4+s5+$0x0], $0xffff;
	[tilespmem:s2+$0x290] =	vst v0  }
0x1cc: {  	v0 =	vld [tilespmem:s19+$0x11000];
	[tilespmem:s25+$0x80] =	vst v1  }
0x1cd: {  	v1 =	vld.idx.msk [tilespmem:v7+s5+$0x0], $0xffff  }
0x1ce: {  	v7 =	vld [tilespmem:s22+$0x10];
	[tilespmem:s2+$0x200] =	vst v2  }
0x1cf: {  	v2 =	vld.idx.msk [tilespmem:v5+s5+$0x0], $0xffff  }
0x1d0: {  	[tilespmem:s25+$0x110] =	vst v4;
	v4 =	vld [tilespmem:s25+$0x210]  }
0x1d1: {  	v5 =	vld.idx.msk [tilespmem:v6+s5+$0x0], $0xffff  }
0x1d2: {  	v6 =	vld.idx.msk [tilespmem:v8+s5+$0x0], $0xffff  }
0x1d3: {  	v8 =	vld [tilespmem:s12+$0x11000]  }
0x1d4: {  	v57 =	vld [tilespmem:s22+$0x90]  }
0x1d5: {  	v15 =	vld [tilespmem:s22+$0x180]  }
0x1d6: {  	v0 =	vld.idx.msk [tilespmem:v0+s5+$0x0], $0xffff  }
0x1d7: {  	v7 =	vld.idx.msk [tilespmem:v7+s5+$0x0], $0xffff  }
0x1d8: {  	[tilespmem:s25+$0x190] =	vst v5;
	v5 =	vld [tilespmem:s22+$0x100]  }
0x1d9: {  	s23 =	sor.u32 $0x380, s23;
	[tilespmem:s11+$0x11000] =	vst v6;
	v4 =	vld.idx.msk [tilespmem:v4+s5+$0x0], $0xffff  }
0x1da: {  	v6 =	vld [tilespmem:s23+$0x11000]  }
0x1db: {  	s3 =	sor.u32 $0x380, s13;
	[tilespmem:s19+$0x11000] =	vst v0;
	v8 =	vld.idx.msk [tilespmem:v8+s5+$0x0], $0xffff  }
0x1dc: {  	v0 =	vld [tilespmem:s3+$0x11000]  }
0x1dd: {  	[tilespmem:s22+$0x10] =	vst v7;
	v7 =	vld [tilespmem:s22+$0x110]  }
0x1de: {  	[tilespmem:s25+$0x100] =	vst v1;
	v58 =	vld.idx.msk [tilespmem:v57+s5+$0x0], $0xffff  }
0x1df: {  	[tilespmem:s25+$0x210] =	vst v4;
	v4 =	vld.idx.msk [tilespmem:v12+s5+$0x0], $0xffff  }
0x1e0: {  	v1 =	vld.idx.msk [tilespmem:v11+s5+$0x0], $0xffff  }
0x1e1: {  	s26 =	simm.s32 $0x2;
	v11 =	vld [tilespmem:s22+$0x200]  }
0x1e2: {  	s28 =	simm.s32 $0x400;
	s7 =	sand.u32 $0x3, s26;
	s26 =	simm.s32 $0x80;
	[tilespmem:s12+$0x11000] =	vst v8;
	v8 =	vld [tilespmem:s22+$0x190]  }
0x1e3: {  	s24 =	sand.u32 $0x7C00, s28;
	s7 =	sshll.u32 s7, $0x5;
	[tilespmem:s29+$0x11000] =	vst v3;
	s12 =	sand.u32 $0x60, s26;
	v60 =	vld [tilespmem:s22+$0x280]  }
0x1e4: {  	s13 =	sor.u32 $0x300, s0;
	s7 =	sadd.s32 $0x200, s7;
	[tilespmem:s2+$0x280] =	vst v2;
	s2 =	sor.u32 s12, s24;
	v3 =	vld.idx.msk [tilespmem:v6+s5+$0x0], $0xffff  }
0x1e5: {  	s19 =	sadd.s32 $0x10, s7;
	s24 =	sadd.s32 $0x11000, s2;
	[tilespmem:s25+$0x180] =	vst v4;
	v4 =	vld [tilespmem:s13+$0x11000]  }
0x1e6: {  	s30 =	sor.u32 $0x300, s19;
	v61 =	vld [tilespmem:s24+$0x80];
	[tilespmem:s25+$0x290] =	vst v1  }
0x1e7: {  	v1 =	vld [tilespmem:s30+$0x11000]  }
0x1e8: {  	v2 =	vld.idx.msk [tilespmem:v9+s5+$0x0], $0xffff  }
0x1e9: {  	v59 =	vld.idx.msk [tilespmem:v0+s5+$0x0], $0xffff  }
0x1ea: {  	[tilespmem:s22+$0x90] =	vst v58;
	v0 =	vld.idx.msk [tilespmem:v56+s5+$0x0], $0xffff  }
0x1eb: {  	v7 =	vld.idx.msk [tilespmem:v7+s5+$0x0], $0xffff  }
0x1ec: {  	v16 =	vld [tilespmem:s24+$0x100]  }
0x1ed: {  	v17 =	vld [tilespmem:s24+$0x90];
	[tilespmem:s25+$0x200] =	vst v2  }
0x1ee: {  	v9 =	vld.idx.msk [tilespmem:v10+s5+$0x0], $0xffff  }
0x1ef: {  	[tilespmem:s22+$0x80] =	vst v0;
	v0 =	vld.idx.msk [tilespmem:v1+s5+$0x0], $0xffff  }
0x1f0: {  	[tilespmem:s22+$0x110] =	vst v7;
	v1 =	vld [tilespmem:s22+$0x210]  }
0x1f1: {  	v2 =	vld.idx.msk [tilespmem:v8+s5+$0x0], $0xffff  }
0x1f2: {  	v8 =	vld [tilespmem:s24+$0x10]  }
0x1f3: {  	v7 =	vld.idx.msk [tilespmem:v4+s5+$0x0], $0xffff  }
0x1f4: {  	s19 =	sor.u32 $0x380, s19;
	v4 =	vld [tilespmem:s2+$0x11000];
	[tilespmem:s30+$0x11000] =	vst v0  }
0x1f5: {  	v10 =	vld [tilespmem:s19+$0x11000]  }
0x1f6: {  	[tilespmem:s22+$0x190] =	vst v2;
	v2 =	vld [tilespmem:s22+$0x290]  }
0x1f7: {  	v62 =	vld [tilespmem:s24+$0x110]  }
0x1f8: {  	v1 =	vld.idx.msk [tilespmem:v1+s5+$0x0], $0xffff  }
0x1f9: {  	v5 =	vld.idx.msk [tilespmem:v5+s5+$0x0], $0xffff  }
0x1fa: {  	v8 =	vld.idx.msk [tilespmem:v8+s5+$0x0], $0xffff  }
0x1fb: {  	v0 =	vld [tilespmem:s24+$0x180]  }
0x1fc: {  	v4 =	vld.idx.msk [tilespmem:v4+s5+$0x0], $0xffff  }
0x1fd: {  	[tilespmem:s22+$0x210] =	vst v1;
	v18 =	vld.idx.msk [tilespmem:v10+s5+$0x0], $0xffff  }
0x1fe: {  	s31 =	simm.s32 $0x3;
	[tilespmem:s22+$0x100] =	vst v5;
	v5 =	vld.idx.msk [tilespmem:v2+s5+$0x0], $0xffff  }
0x1ff: {  	s12 =	sand.u32 $0x3, s31;
	[tilespmem:s24+$0x10] =	vst v8;
	v10 =	vld.idx.msk [tilespmem:v15+s5+$0x0], $0xffff  }
0x200: {  	s11 =	sshll.u32 s12, $0x5;
	v8 =	vld.idx.msk [tilespmem:v17+s5+$0x0], $0xffff  }
0x201: {  	s12 =	sadd.s32 $0x300, s11;
	[tilespmem:s25+$0x280] =	vst v9;
	s30 =	sor.u32 $0x300, s7;
	v1 =	vld [tilespmem:s24+$0x200]  }
0x202: {  	[tilespmem:s2+$0x11000] =	vst v4;
	s2 =	sadd.s32 $0x10, s12;
	v4 =	vld [tilespmem:s30+$0x11000]  }
0x203: {  	s11 =	sor.u32 $0x300, s2;
	[tilespmem:s22+$0x290] =	vst v5;
	v5 =	vld.idx.msk [tilespmem:v61+s5+$0x0], $0xffff  }
0x204: {  	[tilespmem:s22+$0x180] =	vst v10;
	v63 =	vld [tilespmem:s11+$0x11000]  }
0x205: {  	v11 =	vld.idx.msk [tilespmem:v11+s5+$0x0], $0xffff  }
0x206: {  	[tilespmem:s24+$0x90] =	vst v8;
	v8 =	vld [tilespmem:s24+$0x190]  }
0x207: {  	s25 =	sor.u32 $0x380, s0;
	[tilespmem:s13+$0x11000] =	vst v7;
	v10 =	vld.idx.msk [tilespmem:v62+s5+$0x0], $0xffff  }
0x208: {  	[tilespmem:s24+$0x80] =	vst v5;
	v5 =	vld [tilespmem:s25+$0x11000]  }
0x209: {  	v2 =	vld [tilespmem:s24+$0x280]  }
0x20a: {  	v9 =	vld.idx.msk [tilespmem:v16+s5+$0x0], $0xffff;
	[tilespmem:s22+$0x200] =	vst v11  }
0x20b: {  	s29 =	sor.u32 $0x380, s7;
	[tilespmem:s3+$0x11000] =	vst v59;
	v7 =	vld.idx.msk [tilespmem:v60+s5+$0x0], $0xffff  }
0x20c: {  	s3 =	sor.u32 $0x380, s12;
	s0 =	simm.s32 $0x400;
	s7 =	sor.u32 $0x300, s12;
	[tilespmem:s19+$0x11000] =	vst v18;
	v6 =	vld.idx.msk [tilespmem:v63+s5+$0x0], $0xffff  }
.LBB2_7:
0x20d: {  	s26 =	sadd.s32 $0x20, s26;
	[tilespmem:s24+$0x110] =	vst v10;
	v10 =	vld [tilespmem:s24+$0x210];
	s28 =	sadd.s32 $0x100, s28;
	v11 =	vmov v5  }
0x20e: {  	s12 =	sand.u32 $0x60, s26;
	s13 =	sand.u32 $0x7C00, s28;
	p0 =	slt.u32 s26, $0xFE0;
	v5 =	vld.idx.msk [tilespmem:v8+s5+$0x0], $0xffff  }
0x20f: {  	s12 =	sor.u32 s12, s13;
	[tilespmem:s24+$0x100] =	vst v9;
	v4 =	vld.idx.msk [tilespmem:v4+s5+$0x0], $0xffff  }
0x210: {  	s13 =	sadd.s32 $0x11000, s12;
	v8 =	vld [tilespmem:s12+$0x11000];
	[tilespmem:s23+$0x11000] =	vst v3;
	s23 =	smov.u32 s25;
	s25 =	smov.u32 s29  }
0x211: {  	s2 =	sor.u32 $0x380, s2;
	s29 =	smov.u32 s3;
	v3 =	vld [tilespmem:s13+$0x10];
	[tilespmem:s11+$0x11000] =	vst v6  }
0x212: {  	[tilespmem:s22+$0x280] =	vst v7;
	v6 =	vld [tilespmem:s2+$0x11000];
	s22 =	smov.u32 s24;
	s24 =	smov.u32 s13  }
0x213: {  	v7 =	vld [tilespmem:s24+$0x80]  }
0x214: {  	[tilespmem:s22+$0x190] =	vst v5;
	v5 =	vld [tilespmem:s22+$0x290]  }
0x215: {  	v9 =	vld.idx.msk [tilespmem:v10+s5+$0x0], $0xffff;
	[tilespmem:s30+$0x11000] =	vst v4;
	s30 =	smov.u32 s7  }
0x216: {  	v12 =	vld [tilespmem:s24+$0x100]  }
0x217: {  	v4 =	vld [tilespmem:s24+$0x180]  }
0x218: {  	v10 =	vld [tilespmem:s24+$0x90]  }
0x219: {  	v3 =	vld.idx.msk [tilespmem:v3+s5+$0x0], $0xffff  }
0x21a: {  	v6 =	vld.idx.msk [tilespmem:v6+s5+$0x0], $0xffff  }
0x21b: {  	v8 =	vld.idx.msk [tilespmem:v8+s5+$0x0], $0xffff;
	[tilespmem:s22+$0x210] =	vst v9  }
0x21c: {  	v5 =	vld.idx.msk [tilespmem:v5+s5+$0x0], $0xffff  }
0x21d: {  	s31 =	sadd.s32 $0x1, s31;
	v9 =	vld.idx.msk [tilespmem:v0+s5+$0x0], $0xffff;
	v0 =	vmov v4  }
0x21e: {  	s3 =	sand.u32 $0x3, s31;
	v4 =	vld [tilespmem:s24+$0x200]  }
0x21f: {  	s3 =	sshll.u32 s3, $0x5;
	[tilespmem:s24+$0x10] =	vst v3;
	v3 =	vld [tilespmem:s24+$0x110]  }
0x220: {  	s11 =	sadd.s32 s3, s0;
	s0 =	smov.u32 s28;
	v10 =	vld.idx.msk [tilespmem:v10+s5+$0x0], $0xffff;
	[tilespmem:s2+$0x11000] =	vst v6  }
0x221: {  	s3 =	sor.u32 $0x380, s11;
	s7 =	sor.u32 $0x300, s11;
	s2 =	sadd.s32 $0x10, s11;
	[tilespmem:s12+$0x11000] =	vst v8;
	v13 =	vld [tilespmem:s24+$0x280]  }
0x222: {  	s11 =	sor.u32 $0x300, s2;
	v6 =	vld.idx.msk [tilespmem:v7+s5+$0x0], $0xffff;
	[tilespmem:s22+$0x290] =	vst v5  }
0x223: {  	[tilespmem:s22+$0x180] =	vst v9;
	v7 =	vld [tilespmem:s11+$0x11000]  }
0x224: {  	v14 =	vld.idx.msk [tilespmem:v1+s5+$0x0], $0xffff;
	v1 =	vmov v4  }
0x225: {  	v4 =	vld [tilespmem:s30+$0x11000]  }
0x226: {  	[tilespmem:s24+$0x90] =	vst v10;
	v8 =	vld [tilespmem:s24+$0x190]  }
0x227: {  	v10 =	vld.idx.msk [tilespmem:v3+s5+$0x0], $0xffff  }
.Ltmp2:
0x228: {  	[tilespmem:s24+$0x80] =	vst v6;
	v5 =	vld [tilespmem:s25+$0x11000];
	(pc) =	sbr.rel @p0 .LBB2_7-.Ltmp2, $4  }
0x229: {  	v9 =	vld.idx.msk [tilespmem:v12+s5+$0x0], $0xffff  }
0x22a: {  	[tilespmem:s22+$0x200] =	vst v14;
	v3 =	vld.idx.msk [tilespmem:v11+s5+$0x0], $0xffff  }
0x22b: {  	v6 =	vld.idx.msk [tilespmem:v7+s5+$0x0], $0xffff  }
0x22c: {  	v7 =	vld.idx.msk [tilespmem:v2+s5+$0x0], $0xffff;
	v2 =	vmov v13  }
0x22d: {  	_ =	sdelay $0x1  }
0x22e: {  	v58 =	vld [tilespmem:s24+$0x210]  }
0x22f: {  	[tilespmem:s24+$0x110] =	vst v10  }
0x230: {  	v8 =	vld.idx.msk [tilespmem:v8+s5+$0x0], $0xffff;
	[tilespmem:s24+$0x100] =	vst v9  }
0x231: {  	v0 =	vld.idx.msk [tilespmem:v0+s5+$0x0], $0xffff;
	_ =	sdelay $0x2  }
0x232: {  	v59 =	vld [tilespmem:s24+$0x290]  }
0x233: {  	[tilespmem:s24+$0x190] =	vst v8  }
0x234: {  	[tilespmem:s24+$0x180] =	vst v0;
	v60 =	vld.idx.msk [tilespmem:v58+s5+$0x0], $0xffff  }
0x235: {  	v0 =	vld.idx.msk [tilespmem:v1+s5+$0x0], $0xffff;
	_ =	sdelay $0x3  }
0x236: {  	[tilespmem:s24+$0x210] =	vst v60  }
0x237: {  	s12 =	sadd.s32 $0x1, s31;
	[tilespmem:s24+$0x200] =	vst v0;
	v61 =	vld.idx.msk [tilespmem:v59+s5+$0x0], $0xffff  }
0x238: {  	s12 =	sand.u32 $0x3, s12;
	v0 =	vld.idx.msk [tilespmem:v2+s5+$0x0], $0xffff  }
0x239: {  	s12 =	sshll.u32 s12, $0x5  }
0x23a: {  	s0 =	sadd.s32 s12, s0  }
0x23b: {  	s12 =	sadd.s32 $0x10, s0;
	[tilespmem:s22+$0x280] =	vst v7  }
0x23c: {  	s13 =	sor.u32 $0x300, s12;
	v62 =	vld [tilespmem:s7+$0x11000];
	[tilespmem:s24+$0x290] =	vst v61  }
0x23d: {  	s19 =	sor.u32 $0x300, s0;
	[tilespmem:s24+$0x280] =	vst v0;
	v1 =	vld [tilespmem:s13+$0x11000]  }
0x23e: {  	v63 =	vld [tilespmem:s19+$0x11000];
	_ =	sdelay $0x4  }
0x23f: {  	v4 =	vld.idx.msk [tilespmem:v4+s5+$0x0], $0xffff  }
0x240: {  	v0 =	vld.idx.msk [tilespmem:v62+s5+$0x0], $0xffff  }
0x241: {  	v1 =	vld.idx.msk [tilespmem:v1+s5+$0x0], $0xffff  }
0x242: {  	v2 =	vld.idx.msk [tilespmem:v63+s5+$0x0], $0xffff  }
0x243: {  	s2 =	sor.u32 $0x380, s2;
	[tilespmem:s11+$0x11000] =	vst v6  }
0x244: {  	v6 =	vld [tilespmem:s2+$0x11000];
	[tilespmem:s30+$0x11000] =	vst v4  }
0x245: {  	v4 =	vld [tilespmem:s29+$0x11000];
	[tilespmem:s7+$0x11000] =	vst v0  }
0x246: {  	s28 =	sor.u32 $0x380, s12;
	v0 =	vld [tilespmem:s3+$0x11000];
	[tilespmem:s13+$0x11000] =	vst v1  }
0x247: {  	s0 =	sor.u32 $0x380, s0;
	[tilespmem:s19+$0x11000] =	vst v2;
	v1 =	vld [tilespmem:s28+$0x11000]  }
0x248: {  	v2 =	vld [tilespmem:s0+$0x11000];
	_ =	sdelay $0x2  }
0x249: {  	v5 =	vld.idx.msk [tilespmem:v5+s5+$0x0], $0xffff  }
0x24a: {  	v6 =	vld.idx.msk [tilespmem:v6+s5+$0x0], $0xffff  }
0x24b: {  	v4 =	vld.idx.msk [tilespmem:v4+s5+$0x0], $0xffff  }
0x24c: {  	v0 =	vld.idx.msk [tilespmem:v0+s5+$0x0], $0xffff  }
0x24d: {  	[tilespmem:s23+$0x11000] =	vst v3;
	v1 =	vld.idx.msk [tilespmem:v1+s5+$0x0], $0xffff  }
0x24e: {  	s20 =	sadd.s32 $0x1, s20;
	[tilespmem:s25+$0x11000] =	vst v5;
	v2 =	vld.idx.msk [tilespmem:v2+s5+$0x0], $0xffff  }
0x24f: {  	p0 =	sne.s32 s20, $0x4;
	[tilespmem:s2+$0x11000] =	vst v6  }
.Ltmp3:
0x250: {  	[tilespmem:s29+$0x11000] =	vst v4;
	(pc) =	sbr.rel @p0 .LBB2_2-.Ltmp3, $4  }
0x251: {  	[tilespmem:s3+$0x11000] =	vst v0  }
0x252: {  	[tilespmem:s28+$0x11000] =	vst v1  }
0x253: {  	s31 =	sadd.s32 s4, s21;
	[tilespmem:s0+$0x11000] =	vst v2  }
0x254: {  	[hbm4b:s31+s5] =	stream.linear.scatter [tilespmem:s16], [sflag:$0x3], $0x8000, $0x38;
	[tilespmem:$0x19000] =	vst v63  }
0x255: {  	_ =	swait.ge [sflag:s17], $0x8000  }
0x256: {  	[sflag:s17] =	ssyncset.done $0x0  }
0x257: {  	[sflag:s17] =	ssyncadd.s32 $0xFFFF8000  }
0x258: {  	_ =	swait.ge [sflag:s18], $0x8000  }
0x259: {  	s2 =	rddreg [dreg:$0x6]  }
0x25a: {  	s0 =	rddreg [dreg:$0x5];
	s2 =	sadd.s32 $0x1, s2  }
0x25b: {  	p0 =	sne.s32 s2, s0  }
.Ltmp4:
0x25c: {  	_ = 	snop;
	(pc) =	sbr.rel @p0 .LBB2_1-.Ltmp4, $3  }
0x25d: {  	_ =	sdelay $0x1  }
0x25e: {  	[sflag:s18] =	ssyncset.done $0x0  }
0x25f: {  	[sflag:s18] =	ssyncadd.s32 $0xFFFF8000  }
0x260: {  	_ =	sfence.sel $0x180000  }
0x261: {  	[bflag:$0x0] =	sbarrier.arrive $0xFFFF  }
0x262: {  	_ =	strace $0x90000047  }
0x263: {  	s0 =	stileid.u32;
	[bflag:$0x2] =	sbarrier.arrive $0xFFFF  }
0x264: {  	p0 =	sne.s32 s0, $0x0;
	s0 =	rddreg [dreg:$0x3]  }
0x265: {  	s0 =	sadd.s32 @!p0 $0x100000, s0  }
0x266: {  	[sflag:s0] =	ssyncadd.tile.s32 @!p0 $0x1;
	_ =	shalt  }
.Lfunc_end2:
_tile_overlayer_lowered:
.L_overlay_start_2:
0x267: {  	(tag) =	ssettag $0x2  }
0x268: {  	s0 =	rddreg [dreg:$0x0];
	s2 =	stileid.u32  }
0x269: {  	s1 =	rddreg [dreg:$0x1];
	p0 =	sne.s32 s2, $0x0  }
0x26a: {  	s3 =	rddreg [dreg:$0x2];
	[bflag:$0x3] =	sbarrier.arrive $0xFFFF;
	s2 =	simm.s32 @!p0 $0x1C04  }
0x26b: {  	[timem:s3], [sflag:s2] =	dma.local @!p0 [hbm:s0], s1  }
0x26c: {  	s0 =	simm.s32 @!p0 $0x4  }
0x26d: {  	_ =	swait.ge @!p0 [sflag:s0], s1  }
0x26e: {  	s1 =	ssub.s32 @!p0 $0x0, s1;
	[sflag:s0] =	ssyncset.done @!p0 $0x0  }
0x26f: {  	[sflag:s0] =	ssyncadd.s32 @!p0 s1  }
0x270: {  	[bflag:$0x3] =	sbarrier.arrive $0xFFFF  }
0x271: {  	_ =	shalt  }

</sc_bundles>
